<compile_context>
chip_gen: v7x
topology: tpu7x:2x2x1
jax: 0.10.2.dev20260603
libtpu: 0.0.44.dev20260713+nightly
codegen_flags: <defaults>
</compile_context>

<pallas_src>
import functools

import jax
import jax.numpy as jnp
from jax import lax
from jax.experimental import pallas as pl
from jax.experimental.pallas import tpu as pltpu
from jax.experimental.pallas import tpu_sc as plsc


def _sc_gather(table, idx, n_rows, d_pad):
    dtype = table.dtype
    itemsize = jnp.dtype(dtype).itemsize
    info = plsc.get_sparse_core_info()
    nc, ns = info.num_cores, info.num_subcores
    nw = nc * ns
    rows_pw = n_rows // nw
    chunk = rows_pw
    while chunk * d_pad * itemsize * 2 + rows_pw * 4 > 440_000:
        chunk //= 2
    n_chunks = rows_pw // chunk
    mesh = plsc.VectorSubcoreMesh(core_axis_name="c", subcore_axis_name="s")

    @functools.partial(
        pl.kernel,
        out_type=jax.ShapeDtypeStruct((n_rows, d_pad), dtype),
        mesh=mesh,
        scratch_types=[
            pltpu.VMEM((rows_pw,), jnp.int32),
            pltpu.VMEM((chunk, d_pad), dtype),
            pltpu.VMEM((chunk, d_pad), dtype),
            pltpu.SemaphoreType.DMA,
            pltpu.SemaphoreType.DMA,
            pltpu.SemaphoreType.DMA,
            pltpu.SemaphoreType.DMA,
        ],
    )
    def k(table_hbm, idx_hbm, out_hbm, idx_v, rows_a, rows_b,
          gsem_a, gsem_b, wsem_a, wsem_b):
        wid = lax.axis_index("s") * nc + lax.axis_index("c")
        base = wid * rows_pw
        bufs = (rows_a, rows_b)
        gsems = (gsem_a, gsem_b)
        wsems = (wsem_a, wsem_b)
        pltpu.sync_copy(idx_hbm.at[pl.ds(base, rows_pw)], idx_v)
        pltpu.async_copy(
            table_hbm.at[idx_v.at[pl.ds(0, chunk)]], bufs[0], gsems[0])
        for j in range(n_chunks):
            p = j % 2
            q = (j + 1) % 2
            if j + 1 < n_chunks:
                if j >= 1:
                    pltpu.make_async_copy(
                        bufs[q],
                        out_hbm.at[pl.ds(base + (j - 1) * chunk, chunk)],
                        wsems[q]).wait()
                pltpu.async_copy(
                    table_hbm.at[idx_v.at[pl.ds((j + 1) * chunk, chunk)]],
                    bufs[q], gsems[q])
            pltpu.make_async_copy(
                table_hbm.at[idx_v.at[pl.ds(j * chunk, chunk)]],
                bufs[p], gsems[p]).wait()
            pltpu.async_copy(
                bufs[p], out_hbm.at[pl.ds(base + j * chunk, chunk)], wsems[p])
        for j in (n_chunks - 2, n_chunks - 1):
            pltpu.make_async_copy(
                bufs[j % 2], out_hbm.at[pl.ds(base + j * chunk, chunk)],
                wsems[j % 2]).wait()

    return k(table, idx)


def _pad_rows(emb_t, d_pad):
    D, V = emb_t.shape
    blk = 4096
    grid = ((V + blk - 1) // blk,)

    def body(x_ref, o_ref):
        xt = jnp.swapaxes(x_ref[...], 0, 1)
        padded = jnp.pad(xt, ((0, 0), (0, d_pad - D)))
        col = lax.broadcasted_iota(jnp.int32, padded.shape, 1)
        o_ref[...] = jnp.where(col == D, 1.0, padded)

    return pl.pallas_call(
        body,
        grid=grid,
        in_specs=[pl.BlockSpec((D, blk), lambda i: (0, i))],
        out_specs=pl.BlockSpec((blk, d_pad), lambda i: (i, 0)),
        out_shape=jax.ShapeDtypeStruct((grid[0] * blk, d_pad), emb_t.dtype),
    )(emb_t)


def _bilstm_step(
    xf_ref, xb_ref,
    wif_ref, wib_ref,
    wof_ref, wob_ref, bo_ref,
    outf_ref, outb_ref,
    hf, cf, hb, cb,
    *, hidden, tblk,
):
    t = pl.program_id(0)

    @pl.when(t == 0)
    def _init():
        hf[...] = jnp.zeros_like(hf)
        cf[...] = jnp.zeros_like(cf)
        hb[...] = jnp.zeros_like(hb)
        cb[...] = jnp.zeros_like(cb)

    h = hidden

    def step(x, w_cat, h2_prev, c_prev):
        xh = jnp.concatenate([x.astype(jnp.bfloat16), h2_prev], axis=1)
        g = jnp.dot(xh, w_cat, preferred_element_type=jnp.float32)
        ti = jnp.tanh(g[:, 0 * h:1 * h])
        tf = jnp.tanh(g[:, 1 * h:2 * h])
        gg = jnp.tanh(g[:, 2 * h:3 * h])
        to = jnp.tanh(g[:, 3 * h:4 * h])
        c = 0.5 * ((tf + 1.0) * c_prev + (ti + 1.0) * gg)
        return ((to + 1.0) * jnp.tanh(c)).astype(jnp.bfloat16), c

    h_f, c_f = hf[...], cf[...]
    h_b, c_b = hb[...], cb[...]
    for k in range(tblk):
        h_f, c_f = step(xf_ref[k], wif_ref[...], h_f, c_f)
        pf = (jnp.dot(h_f, wof_ref[...], preferred_element_type=jnp.float32)
              + bo_ref[...])
        outf_ref[k] = pf.astype(jnp.bfloat16)
        h_b, c_b = step(xb_ref[tblk - 1 - k], wib_ref[...], h_b, c_b)
        pb = jnp.dot(h_b, wob_ref[...], preferred_element_type=jnp.float32)
        outb_ref[tblk - 1 - k] = pb.astype(jnp.bfloat16)
    hf[...] = h_f
    cf[...] = c_f
    hb[...] = h_b
    cb[...] = c_b


def _bilstm(xs, wif, wib, wof, wob, bo):
    L, B, Dp = xs.shape
    H = wof.shape[0]
    O = wof.shape[1]
    f32 = jnp.float32
    T = next((t for t in (8, 4, 5, 2, 1) if L % t == 0), 1)
    LT = L // T
    grid = (LT,)
    const = lambda t: (0, 0)
    out_f, out_b = pl.pallas_call(
        functools.partial(_bilstm_step, hidden=H, tblk=T),
        grid=grid,
        in_specs=[
            pl.BlockSpec((T, B, Dp), lambda t: (t, 0, 0)),
            pl.BlockSpec((T, B, Dp), lambda t: (LT - 1 - t, 0, 0)),
            pl.BlockSpec((Dp + H, 4 * H), const),
            pl.BlockSpec((Dp + H, 4 * H), const),
            pl.BlockSpec((H, O), const),
            pl.BlockSpec((H, O), const),
            pl.BlockSpec((1, O), const),
        ],
        out_specs=[
            pl.BlockSpec((T, B, O), lambda t: (t, 0, 0)),
            pl.BlockSpec((T, B, O), lambda t: (LT - 1 - t, 0, 0)),
        ],
        out_shape=[
            jax.ShapeDtypeStruct((L, B, O), jnp.bfloat16),
            jax.ShapeDtypeStruct((L, B, O), jnp.bfloat16),
        ],
        scratch_shapes=[
            pltpu.VMEM((B, H), jnp.bfloat16), pltpu.VMEM((B, H), f32),
            pltpu.VMEM((B, H), jnp.bfloat16), pltpu.VMEM((B, H), f32),
        ],
        compiler_params=pltpu.CompilerParams(
            dimension_semantics=("arbitrary",),
        ),
    )(xs, xs, wif, wib, wof, wob, bo)
    return out_f, out_b


def kernel(sentence, emb, W_ih_f, W_hh_f, b_ih_f, b_hh_f,
           W_ih_b, W_hh_b, b_ih_b, b_hh_b, W_out, b_out):
    B, L = sentence.shape
    V, D = emb.shape
    H = W_hh_f.shape[1]
    O = W_out.shape[0]
    Dp = (D + 127) // 128 * 128
    bf16 = jnp.bfloat16

    emb_p = _pad_rows(jnp.swapaxes(emb, 0, 1), Dp)
    idx = sentence.astype(jnp.int32).T.reshape(-1)

    xs = _sc_gather(emb_p, idx, B * L, Dp).reshape(L, B, Dp)

    gscale = jnp.concatenate([
        jnp.full((1, H), 0.5), jnp.full((1, H), 0.5),
        jnp.ones((1, H)), jnp.full((1, H), 0.5)], axis=1).astype(jnp.float32)

    def wcat(W_ih, W_hh, b_ih, b_hh):
        wx = jnp.pad(W_ih.T, ((0, Dp - D), (0, 0)))
        wx = wx.at[D].set(b_ih + b_hh)
        w = jnp.concatenate([wx, 0.5 * W_hh.T], axis=0)
        return (w * gscale).astype(bf16)

    wif = wcat(W_ih_f, W_hh_f, b_ih_f, b_hh_f)
    wib = wcat(W_ih_b, W_hh_b, b_ih_b, b_hh_b)
    wof = (0.5 * W_out[:, :H].T).astype(bf16)
    wob = (0.5 * W_out[:, H:].T).astype(bf16)
    bo = b_out.reshape(1, O)

    out_f, out_b = _bilstm(xs, wif, wib, wof, wob, bo)
    return jnp.swapaxes(out_f.astype(jnp.float32) + out_b.astype(jnp.float32),
                        0, 1)

# --- scband reference (transcript-rebuilt; emitter-appended) ---
"""Pipeline reference for scband-lstm-996432413238 (READ-ONLY COPY).

The authoritative reference and input builder live on the scoring server;
editing this copy changes nothing except your own understanding.
"""

import jax, jax.numpy as jnp
import numpy as np


def _lstm_dir(x, W_ih, W_hh, b_ih, b_hh, reverse=False):
    B, L, D = x.shape
    H = W_hh.shape[1]
    xs = jnp.swapaxes(x, 0, 1)
    if reverse:
        xs = xs[::-1]

    def step(carry, xt):
        h, c = carry
        gates = xt @ W_ih.T + b_ih + h @ W_hh.T + b_hh
        i, f, g, o = jnp.split(gates, 4, axis=-1)
        i = jax.nn.sigmoid(i)
        f = jax.nn.sigmoid(f)
        g = jnp.tanh(g)
        o = jax.nn.sigmoid(o)
        c = f * c + i * g
        h = o * jnp.tanh(c)
        return (h, c), h

    h0 = jnp.zeros((B, H), dtype=x.dtype)
    c0 = jnp.zeros((B, H), dtype=x.dtype)
    _, hs = jax.lax.scan(step, (h0, c0), xs)
    if reverse:
        hs = hs[::-1]
    return jnp.swapaxes(hs, 0, 1)


def setup_inputs(seed: int = 0):
    key = jax.random.key(seed)
    ks = jax.random.split(key, 12)
    V, D, H2, O = 100000, 100, 256, 20
    H = H2 // 2
    B, L = 1024, 200
    sentence = jax.random.randint(ks[0], (B, L), 0, V)
    emb = jax.random.normal(ks[1], (V, D), dtype=jnp.float32) * 0.1
    W_ih_f = jax.random.normal(ks[2], (4 * H, D), dtype=jnp.float32) * 0.08
    W_hh_f = jax.random.normal(ks[3], (4 * H, H), dtype=jnp.float32) * 0.08
    b_ih_f = jax.random.normal(ks[4], (4 * H,), dtype=jnp.float32) * 0.08
    b_hh_f = jax.random.normal(ks[5], (4 * H,), dtype=jnp.float32) * 0.08
    W_ih_b = jax.random.normal(ks[6], (4 * H, D), dtype=jnp.float32) * 0.08
    W_hh_b = jax.random.normal(ks[7], (4 * H, H), dtype=jnp.float32) * 0.08
    b_ih_b = jax.random.normal(ks[8], (4 * H,), dtype=jnp.float32) * 0.08
    b_hh_b = jax.random.normal(ks[9], (4 * H,), dtype=jnp.float32) * 0.08
    W_out = jax.random.normal(ks[10], (O, H2), dtype=jnp.float32) * 0.08
    b_out = jax.random.normal(ks[11], (O,), dtype=jnp.float32) * 0.08
    return {"sentence": sentence, "emb": emb, "W_ih_f": W_ih_f, "W_hh_f": W_hh_f, "b_ih_f": b_ih_f, "b_hh_f": b_hh_f, "W_ih_b": W_ih_b, "W_hh_b": W_hh_b, "b_ih_b": b_ih_b, "b_hh_b": b_hh_b, "W_out": W_out, "b_out": b_out}


def reference(sentence, emb, W_ih_f, W_hh_f, b_ih_f, b_hh_f, W_ih_b, W_hh_b, b_ih_b, b_hh_b, W_out, b_out):
    embeds = jnp.take(emb, sentence, axis=0)
    out_f = _lstm_dir(embeds, W_ih_f, W_hh_f, b_ih_f, b_hh_f, reverse=False)
    out_b = _lstm_dir(embeds, W_ih_b, W_hh_b, b_ih_b, b_hh_b, reverse=True)
    lstm_out = jnp.concatenate([out_f, out_b], axis=-1)
    lstm_feats = lstm_out @ W_out.T + b_out
    return lstm_feats

if __name__ == "__main__":
    import jax
    _d = setup_inputs()
    print(jax.jit(kernel)(*tuple(_d.values())))

</pallas_src>

<mosaic_0001>
#map = affine_map<(d0, d1) -> (0, 0)>
#map1 = affine_map<(d0, d1) -> (0)>
module attributes {stable_mosaic.version = 14 : i64} {
  func.func @k(%arg0: i32, %arg1: i32, %arg2: memref<102400x128xf32, #tpu.memory_space<hbm>>, %arg3: memref<204800xi32, #tpu.memory_space<hbm>>, %arg4: memref<204800x128xf32, #tpu.memory_space<hbm>>, %arg5: memref<6400xi32, #tpu.memory_space<vmem>>, %arg6: memref<400x128xf32, #tpu.memory_space<vmem>>, %arg7: memref<400x128xf32, #tpu.memory_space<vmem>>, %arg8: memref<!tpu.dma_semaphore, #tpu.memory_space<semaphore_mem>>, %arg9: memref<!tpu.dma_semaphore, #tpu.memory_space<semaphore_mem>>, %arg10: memref<!tpu.dma_semaphore, #tpu.memory_space<semaphore_mem>>, %arg11: memref<!tpu.dma_semaphore, #tpu.memory_space<semaphore_mem>>) attributes {dimension_semantics = [#tpu.dimension_semantics<core_parallel>, #tpu.dimension_semantics<subcore_parallel>], iteration_bounds = array<i64: 2, 16>, scalar_prefetch = 0 : i64, scratch_operands = 7 : i64, tpu.core_type = #tpu.core_type<sc_vector_subcore>, window_params = [{transform_indices = #map}, {transform_indices = #map1}, {transform_indices = #map}]} {
    %mul3A = arith.constant 2 : i32
    %mul3A_0 = arith.muli %arg1, %mul3A : i32
    %add3A = arith.addi %mul3A_0, %arg0 : i32
    %mul3A_1 = arith.constant 6400 : i32
    %mul3A_2 = arith.muli %add3A, %mul3A_1 : i32
    "tpu.region"() ({
      %run_scoped3A = tpu.sem_alloc : memref<!tpu.dma_semaphore, #tpu.memory_space<semaphore_mem>>
      %dma_start3A_353 = tpu.memref_slice %arg3[%mul3A_2] : memref<204800xi32, #tpu.memory_space<hbm>> -> memref<6400xi32, #tpu.memory_space<hbm>>
      %dma_start3A_354 = tpu.memref_slice %arg3[%mul3A_2] : memref<204800xi32, #tpu.memory_space<hbm>> -> memref<6400xi32, #tpu.memory_space<hbm>>
      tpu.enqueue_dma source(%dma_start3A_354 : memref<6400xi32, #tpu.memory_space<hbm>>) target(%arg5 : memref<6400xi32, #tpu.memory_space<vmem>>) target_semaphore(%run_scoped3A : memref<!tpu.dma_semaphore, #tpu.memory_space<semaphore_mem>>)
      %dma_wait3A_355 = tpu.memref_slice %arg3[%mul3A_2] : memref<204800xi32, #tpu.memory_space<hbm>> -> memref<6400xi32, #tpu.memory_space<hbm>>
      %dma_wait3A_356 = tpu.memref_slice %arg3[%mul3A_2] : memref<204800xi32, #tpu.memory_space<hbm>> -> memref<6400xi32, #tpu.memory_space<hbm>>
      tpu.wait_dma2 semaphore(%run_scoped3A : memref<!tpu.dma_semaphore, #tpu.memory_space<semaphore_mem>>) src(%dma_wait3A_356 : memref<6400xi32, #tpu.memory_space<hbm>>) dst(%arg5 : memref<6400xi32, #tpu.memory_space<vmem>>)
      tpu.yield
    }) : () -> ()
    %dma_start3A = arith.constant 0 : i32
    %dma_start3A_3 = tpu.memref_slice %arg5[%dma_start3A] : memref<6400xi32, #tpu.memory_space<vmem>> -> memref<400xi32, #tpu.memory_space<vmem>>
    %dma_start3A_4 = arith.constant 0 : i32
    %dma_start3A_5 = arith.constant 0 : i32
    %dma_start3A_6 = tpu.memref_slice %arg2[%dma_start3A_4, %dma_start3A_5] : memref<102400x128xf32, #tpu.memory_space<hbm>> -> memref<102400x128xf32, #tpu.memory_space<hbm>>
    tpu.enqueue_indirect_dma source(%dma_start3A_6 : memref<102400x128xf32, #tpu.memory_space<hbm>>) target(%arg6 : memref<400x128xf32, #tpu.memory_space<vmem>>) offsets(%dma_start3A_3 : memref<400xi32, #tpu.memory_space<vmem>>) semaphore(%arg8 : memref<!tpu.dma_semaphore, #tpu.memory_space<semaphore_mem>>)
    %dma_start3A_7 = arith.constant 400 : i32
    %dma_start3A_8 = tpu.memref_slice %arg5[%dma_start3A_7] : memref<6400xi32, #tpu.memory_space<vmem>> -> memref<400xi32, #tpu.memory_space<vmem>>
    %dma_start3A_9 = arith.constant 0 : i32
    %dma_start3A_10 = arith.constant 0 : i32
    %dma_start3A_11 = tpu.memref_slice %arg2[%dma_start3A_9, %dma_start3A_10] : memref<102400x128xf32, #tpu.memory_space<hbm>> -> memref<102400x128xf32, #tpu.memory_space<hbm>>
    tpu.enqueue_indirect_dma source(%dma_start3A_11 : memref<102400x128xf32, #tpu.memory_space<hbm>>) target(%arg7 : memref<400x128xf32, #tpu.memory_space<vmem>>) offsets(%dma_start3A_8 : memref<400xi32, #tpu.memory_space<vmem>>) semaphore(%arg9 : memref<!tpu.dma_semaphore, #tpu.memory_space<semaphore_mem>>)
    %dma_wait3A = arith.constant 0 : i32
    %dma_wait3A_12 = tpu.memref_slice %arg5[%dma_wait3A] : memref<6400xi32, #tpu.memory_space<vmem>> -> memref<400xi32, #tpu.memory_space<vmem>>
    %dma_wait3A_13 = arith.constant 0 : i32
    %dma_wait3A_14 = arith.constant 0 : i32
    %dma_wait3A_15 = tpu.memref_slice %arg2[%dma_wait3A_13, %dma_wait3A_14] : memref<102400x128xf32, #tpu.memory_space<hbm>> -> memref<102400x128xf32, #tpu.memory_space<hbm>>
    tpu.wait_indirect_dma semaphore(%arg8 : memref<!tpu.dma_semaphore, #tpu.memory_space<semaphore_mem>>) src(%dma_wait3A_15 : memref<102400x128xf32, #tpu.memory_space<hbm>>) dst(%arg6 : memref<400x128xf32, #tpu.memory_space<vmem>>)
    %add3A_16 = arith.constant 0 : i32
    %add3A_17 = arith.addi %mul3A_2, %add3A_16 : i32
    %dma_start3A_18 = arith.constant 0 : i32
    %dma_start3A_19 = tpu.memref_slice %arg4[%add3A_17, %dma_start3A_18] : memref<204800x128xf32, #tpu.memory_space<hbm>> -> memref<400x128xf32, #tpu.memory_space<hbm>>
    %dma_start3A_20 = arith.constant 0 : i32
    %dma_start3A_21 = tpu.memref_slice %arg4[%add3A_17, %dma_start3A_20] : memref<204800x128xf32, #tpu.memory_space<hbm>> -> memref<400x128xf32, #tpu.memory_space<hbm>>
    tpu.enqueue_dma source(%arg6 : memref<400x128xf32, #tpu.memory_space<vmem>>) target(%dma_start3A_21 : memref<400x128xf32, #tpu.memory_space<hbm>>) target_semaphore(%arg10 : memref<!tpu.dma_semaphore, #tpu.memory_space<semaphore_mem>>)
    %add3A_22 = arith.constant 0 : i32
    %add3A_23 = arith.addi %mul3A_2, %add3A_22 : i32
    %dma_wait3A_24 = arith.constant 0 : i32
    %dma_wait3A_25 = tpu.memref_slice %arg4[%add3A_23, %dma_wait3A_24] : memref<204800x128xf32, #tpu.memory_space<hbm>> -> memref<400x128xf32, #tpu.memory_space<hbm>>
    %dma_wait3A_26 = arith.constant 0 : i32
    %dma_wait3A_27 = tpu.memref_slice %arg4[%add3A_23, %dma_wait3A_26] : memref<204800x128xf32, #tpu.memory_space<hbm>> -> memref<400x128xf32, #tpu.memory_space<hbm>>
    tpu.wait_dma2 semaphore(%arg10 : memref<!tpu.dma_semaphore, #tpu.memory_space<semaphore_mem>>) src(%arg6 : memref<400x128xf32, #tpu.memory_space<vmem>>) dst(%dma_wait3A_27 : memref<400x128xf32, #tpu.memory_space<hbm>>)
    %dma_start3A_28 = arith.constant 800 : i32
    %dma_start3A_29 = tpu.memref_slice %arg5[%dma_start3A_28] : memref<6400xi32, #tpu.memory_space<vmem>> -> memref<400xi32, #tpu.memory_space<vmem>>
    %dma_start3A_30 = arith.constant 0 : i32
    %dma_start3A_31 = arith.constant 0 : i32
    %dma_start3A_32 = tpu.memref_slice %arg2[%dma_start3A_30, %dma_start3A_31] : memref<102400x128xf32, #tpu.memory_space<hbm>> -> memref<102400x128xf32, #tpu.memory_space<hbm>>
    tpu.enqueue_indirect_dma source(%dma_start3A_32 : memref<102400x128xf32, #tpu.memory_space<hbm>>) target(%arg6 : memref<400x128xf32, #tpu.memory_space<vmem>>) offsets(%dma_start3A_29 : memref<400xi32, #tpu.memory_space<vmem>>) semaphore(%arg8 : memref<!tpu.dma_semaphore, #tpu.memory_space<semaphore_mem>>)
    %dma_wait3A_33 = arith.constant 400 : i32
    %dma_wait3A_34 = tpu.memref_slice %arg5[%dma_wait3A_33] : memref<6400xi32, #tpu.memory_space<vmem>> -> memref<400xi32, #tpu.memory_space<vmem>>
    %dma_wait3A_35 = arith.constant 0 : i32
    %dma_wait3A_36 = arith.constant 0 : i32
    %dma_wait3A_37 = tpu.memref_slice %arg2[%dma_wait3A_35, %dma_wait3A_36] : memref<102400x128xf32, #tpu.memory_space<hbm>> -> memref<102400x128xf32, #tpu.memory_space<hbm>>
    tpu.wait_indirect_dma semaphore(%arg9 : memref<!tpu.dma_semaphore, #tpu.memory_space<semaphore_mem>>) src(%dma_wait3A_37 : memref<102400x128xf32, #tpu.memory_space<hbm>>) dst(%arg7 : memref<400x128xf32, #tpu.memory_space<vmem>>)
    %add3A_38 = arith.constant 400 : i32
    %add3A_39 = arith.addi %mul3A_2, %add3A_38 : i32
    %dma_start3A_40 = arith.constant 0 : i32
    %dma_start3A_41 = tpu.memref_slice %arg4[%add3A_39, %dma_start3A_40] : memref<204800x128xf32, #tpu.memory_space<hbm>> -> memref<400x128xf32, #tpu.memory_space<hbm>>
    %dma_start3A_42 = arith.constant 0 : i32
    %dma_start3A_43 = tpu.memref_slice %arg4[%add3A_39, %dma_start3A_42] : memref<204800x128xf32, #tpu.memory_space<hbm>> -> memref<400x128xf32, #tpu.memory_space<hbm>>
    tpu.enqueue_dma source(%arg7 : memref<400x128xf32, #tpu.memory_space<vmem>>) target(%dma_start3A_43 : memref<400x128xf32, #tpu.memory_space<hbm>>) target_semaphore(%arg11 : memref<!tpu.dma_semaphore, #tpu.memory_space<semaphore_mem>>)
    %add3A_44 = arith.constant 400 : i32
    %add3A_45 = arith.addi %mul3A_2, %add3A_44 : i32
    %dma_wait3A_46 = arith.constant 0 : i32
    %dma_wait3A_47 = tpu.memref_slice %arg4[%add3A_45, %dma_wait3A_46] : memref<204800x128xf32, #tpu.memory_space<hbm>> -> memref<400x128xf32, #tpu.memory_space<hbm>>
    %dma_wait3A_48 = arith.constant 0 : i32
    %dma_wait3A_49 = tpu.memref_slice %arg4[%add3A_45, %dma_wait3A_48] : memref<204800x128xf32, #tpu.memory_space<hbm>> -> memref<400x128xf32, #tpu.memory_space<hbm>>
    tpu.wait_dma2 semaphore(%arg11 : memref<!tpu.dma_semaphore, #tpu.memory_space<semaphore_mem>>) src(%arg7 : memref<400x128xf32, #tpu.memory_space<vmem>>) dst(%dma_wait3A_49 : memref<400x128xf32, #tpu.memory_space<hbm>>)
    %dma_start3A_50 = arith.constant 1200 : i32
    %dma_start3A_51 = tpu.memref_slice %arg5[%dma_start3A_50] : memref<6400xi32, #tpu.memory_space<vmem>> -> memref<400xi32, #tpu.memory_space<vmem>>
    %dma_start3A_52 = arith.constant 0 : i32
    %dma_start3A_53 = arith.constant 0 : i32
    %dma_start3A_54 = tpu.memref_slice %arg2[%dma_start3A_52, %dma_start3A_53] : memref<102400x128xf32, #tpu.memory_space<hbm>> -> memref<102400x128xf32, #tpu.memory_space<hbm>>
    tpu.enqueue_indirect_dma source(%dma_start3A_54 : memref<102400x128xf32, #tpu.memory_space<hbm>>) target(%arg7 : memref<400x128xf32, #tpu.memory_space<vmem>>) offsets(%dma_start3A_51 : memref<400xi32, #tpu.memory_space<vmem>>) semaphore(%arg9 : memref<!tpu.dma_semaphore, #tpu.memory_space<semaphore_mem>>)
    %dma_wait3A_55 = arith.constant 800 : i32
    %dma_wait3A_56 = tpu.memref_slice %arg5[%dma_wait3A_55] : memref<6400xi32, #tpu.memory_space<vmem>> -> memref<400xi32, #tpu.memory_space<vmem>>
    %dma_wait3A_57 = arith.constant 0 : i32
    %dma_wait3A_58 = arith.constant 0 : i32
    %dma_wait3A_59 = tpu.memref_slice %arg2[%dma_wait3A_57, %dma_wait3A_58] : memref<102400x128xf32, #tpu.memory_space<hbm>> -> memref<102400x128xf32, #tpu.memory_space<hbm>>
    tpu.wait_indirect_dma semaphore(%arg8 : memref<!tpu.dma_semaphore, #tpu.memory_space<semaphore_mem>>) src(%dma_wait3A_59 : memref<102400x128xf32, #tpu.memory_space<hbm>>) dst(%arg6 : memref<400x128xf32, #tpu.memory_space<vmem>>)
    %add3A_60 = arith.constant 800 : i32
    %add3A_61 = arith.addi %mul3A_2, %add3A_60 : i32
    %dma_start3A_62 = arith.constant 0 : i32
    %dma_start3A_63 = tpu.memref_slice %arg4[%add3A_61, %dma_start3A_62] : memref<204800x128xf32, #tpu.memory_space<hbm>> -> memref<400x128xf32, #tpu.memory_space<hbm>>
    %dma_start3A_64 = arith.constant 0 : i32
    %dma_start3A_65 = tpu.memref_slice %arg4[%add3A_61, %dma_start3A_64] : memref<204800x128xf32, #tpu.memory_space<hbm>> -> memref<400x128xf32, #tpu.memory_space<hbm>>
    tpu.enqueue_dma source(%arg6 : memref<400x128xf32, #tpu.memory_space<vmem>>) target(%dma_start3A_65 : memref<400x128xf32, #tpu.memory_space<hbm>>) target_semaphore(%arg10 : memref<!tpu.dma_semaphore, #tpu.memory_space<semaphore_mem>>)
    %add3A_66 = arith.constant 800 : i32
    %add3A_67 = arith.addi %mul3A_2, %add3A_66 : i32
    %dma_wait3A_68 = arith.constant 0 : i32
    %dma_wait3A_69 = tpu.memref_slice %arg4[%add3A_67, %dma_wait3A_68] : memref<204800x128xf32, #tpu.memory_space<hbm>> -> memref<400x128xf32, #tpu.memory_space<hbm>>
    %dma_wait3A_70 = arith.constant 0 : i32
    %dma_wait3A_71 = tpu.memref_slice %arg4[%add3A_67, %dma_wait3A_70] : memref<204800x128xf32, #tpu.memory_space<hbm>> -> memref<400x128xf32, #tpu.memory_space<hbm>>
    tpu.wait_dma2 semaphore(%arg10 : memref<!tpu.dma_semaphore, #tpu.memory_space<semaphore_mem>>) src(%arg6 : memref<400x128xf32, #tpu.memory_space<vmem>>) dst(%dma_wait3A_71 : memref<400x128xf32, #tpu.memory_space<hbm>>)
    %dma_start3A_72 = arith.constant 1600 : i32
    %dma_start3A_73 = tpu.memref_slice %arg5[%dma_start3A_72] : memref<6400xi32, #tpu.memory_space<vmem>> -> memref<400xi32, #tpu.memory_space<vmem>>
    %dma_start3A_74 = arith.constant 0 : i32
    %dma_start3A_75 = arith.constant 0 : i32
    %dma_start3A_76 = tpu.memref_slice %arg2[%dma_start3A_74, %dma_start3A_75] : memref<102400x128xf32, #tpu.memory_space<hbm>> -> memref<102400x128xf32, #tpu.memory_space<hbm>>
    tpu.enqueue_indirect_dma source(%dma_start3A_76 : memref<102400x128xf32, #tpu.memory_space<hbm>>) target(%arg6 : memref<400x128xf32, #tpu.memory_space<vmem>>) offsets(%dma_start3A_73 : memref<400xi32, #tpu.memory_space<vmem>>) semaphore(%arg8 : memref<!tpu.dma_semaphore, #tpu.memory_space<semaphore_mem>>)
    %dma_wait3A_77 = arith.constant 1200 : i32
    %dma_wait3A_78 = tpu.memref_slice %arg5[%dma_wait3A_77] : memref<6400xi32, #tpu.memory_space<vmem>> -> memref<400xi32, #tpu.memory_space<vmem>>
    %dma_wait3A_79 = arith.constant 0 : i32
    %dma_wait3A_80 = arith.constant 0 : i32
    %dma_wait3A_81 = tpu.memref_slice %arg2[%dma_wait3A_79, %dma_wait3A_80] : memref<102400x128xf32, #tpu.memory_space<hbm>> -> memref<102400x128xf32, #tpu.memory_space<hbm>>
    tpu.wait_indirect_dma semaphore(%arg9 : memref<!tpu.dma_semaphore, #tpu.memory_space<semaphore_mem>>) src(%dma_wait3A_81 : memref<102400x128xf32, #tpu.memory_space<hbm>>) dst(%arg7 : memref<400x128xf32, #tpu.memory_space<vmem>>)
    %add3A_82 = arith.constant 1200 : i32
    %add3A_83 = arith.addi %mul3A_2, %add3A_82 : i32
    %dma_start3A_84 = arith.constant 0 : i32
    %dma_start3A_85 = tpu.memref_slice %arg4[%add3A_83, %dma_start3A_84] : memref<204800x128xf32, #tpu.memory_space<hbm>> -> memref<400x128xf32, #tpu.memory_space<hbm>>
    %dma_start3A_86 = arith.constant 0 : i32
    %dma_start3A_87 = tpu.memref_slice %arg4[%add3A_83, %dma_start3A_86] : memref<204800x128xf32, #tpu.memory_space<hbm>> -> memref<400x128xf32, #tpu.memory_space<hbm>>
    tpu.enqueue_dma source(%arg7 : memref<400x128xf32, #tpu.memory_space<vmem>>) target(%dma_start3A_87 : memref<400x128xf32, #tpu.memory_space<hbm>>) target_semaphore(%arg11 : memref<!tpu.dma_semaphore, #tpu.memory_space<semaphore_mem>>)
    %add3A_88 = arith.constant 1200 : i32
    %add3A_89 = arith.addi %mul3A_2, %add3A_88 : i32
    %dma_wait3A_90 = arith.constant 0 : i32
    %dma_wait3A_91 = tpu.memref_slice %arg4[%add3A_89, %dma_wait3A_90] : memref<204800x128xf32, #tpu.memory_space<hbm>> -> memref<400x128xf32, #tpu.memory_space<hbm>>
    %dma_wait3A_92 = arith.constant 0 : i32
    %dma_wait3A_93 = tpu.memref_slice %arg4[%add3A_89, %dma_wait3A_92] : memref<204800x128xf32, #tpu.memory_space<hbm>> -> memref<400x128xf32, #tpu.memory_space<hbm>>
    tpu.wait_dma2 semaphore(%arg11 : memref<!tpu.dma_semaphore, #tpu.memory_space<semaphore_mem>>) src(%arg7 : memref<400x128xf32, #tpu.memory_space<vmem>>) dst(%dma_wait3A_93 : memref<400x128xf32, #tpu.memory_space<hbm>>)
    %dma_start3A_94 = arith.constant 2000 : i32
    %dma_start3A_95 = tpu.memref_slice %arg5[%dma_start3A_94] : memref<6400xi32, #tpu.memory_space<vmem>> -> memref<400xi32, #tpu.memory_space<vmem>>
    %dma_start3A_96 = arith.constant 0 : i32
    %dma_start3A_97 = arith.constant 0 : i32
    %dma_start3A_98 = tpu.memref_slice %arg2[%dma_start3A_96, %dma_start3A_97] : memref<102400x128xf32, #tpu.memory_space<hbm>> -> memref<102400x128xf32, #tpu.memory_space<hbm>>
    tpu.enqueue_indirect_dma source(%dma_start3A_98 : memref<102400x128xf32, #tpu.memory_space<hbm>>) target(%arg7 : memref<400x128xf32, #tpu.memory_space<vmem>>) offsets(%dma_start3A_95 : memref<400xi32, #tpu.memory_space<vmem>>) semaphore(%arg9 : memref<!tpu.dma_semaphore, #tpu.memory_space<semaphore_mem>>)
    %dma_wait3A_99 = arith.constant 1600 : i32
    %dma_wait3A_100 = tpu.memref_slice %arg5[%dma_wait3A_99] : memref<6400xi32, #tpu.memory_space<vmem>> -> memref<400xi32, #tpu.memory_space<vmem>>
    %dma_wait3A_101 = arith.constant 0 : i32
    %dma_wait3A_102 = arith.constant 0 : i32
    %dma_wait3A_103 = tpu.memref_slice %arg2[%dma_wait3A_101, %dma_wait3A_102] : memref<102400x128xf32, #tpu.memory_space<hbm>> -> memref<102400x128xf32, #tpu.memory_space<hbm>>
    tpu.wait_indirect_dma semaphore(%arg8 : memref<!tpu.dma_semaphore, #tpu.memory_space<semaphore_mem>>) src(%dma_wait3A_103 : memref<102400x128xf32, #tpu.memory_space<hbm>>) dst(%arg6 : memref<400x128xf32, #tpu.memory_space<vmem>>)
    %add3A_104 = arith.constant 1600 : i32
    %add3A_105 = arith.addi %mul3A_2, %add3A_104 : i32
    %dma_start3A_106 = arith.constant 0 : i32
    %dma_start3A_107 = tpu.memref_slice %arg4[%add3A_105, %dma_start3A_106] : memref<204800x128xf32, #tpu.memory_space<hbm>> -> memref<400x128xf32, #tpu.memory_space<hbm>>
    %dma_start3A_108 = arith.constant 0 : i32
    %dma_start3A_109 = tpu.memref_slice %arg4[%add3A_105, %dma_start3A_108] : memref<204800x128xf32, #tpu.memory_space<hbm>> -> memref<400x128xf32, #tpu.memory_space<hbm>>
    tpu.enqueue_dma source(%arg6 : memref<400x128xf32, #tpu.memory_space<vmem>>) target(%dma_start3A_109 : memref<400x128xf32, #tpu.memory_space<hbm>>) target_semaphore(%arg10 : memref<!tpu.dma_semaphore, #tpu.memory_space<semaphore_mem>>)
    %add3A_110 = arith.constant 1600 : i32
    %add3A_111 = arith.addi %mul3A_2, %add3A_110 : i32
    %dma_wait3A_112 = arith.constant 0 : i32
    %dma_wait3A_113 = tpu.memref_slice %arg4[%add3A_111, %dma_wait3A_112] : memref<204800x128xf32, #tpu.memory_space<hbm>> -> memref<400x128xf32, #tpu.memory_space<hbm>>
    %dma_wait3A_114 = arith.constant 0 : i32
    %dma_wait3A_115 = tpu.memref_slice %arg4[%add3A_111, %dma_wait3A_114] : memref<204800x128xf32, #tpu.memory_space<hbm>> -> memref<400x128xf32, #tpu.memory_space<hbm>>
    tpu.wait_dma2 semaphore(%arg10 : memref<!tpu.dma_semaphore, #tpu.memory_space<semaphore_mem>>) src(%arg6 : memref<400x128xf32, #tpu.memory_space<vmem>>) dst(%dma_wait3A_115 : memref<400x128xf32, #tpu.memory_space<hbm>>)
    %dma_start3A_116 = arith.constant 2400 : i32
    %dma_start3A_117 = tpu.memref_slice %arg5[%dma_start3A_116] : memref<6400xi32, #tpu.memory_space<vmem>> -> memref<400xi32, #tpu.memory_space<vmem>>
    %dma_start3A_118 = arith.constant 0 : i32
    %dma_start3A_119 = arith.constant 0 : i32
    %dma_start3A_120 = tpu.memref_slice %arg2[%dma_start3A_118, %dma_start3A_119] : memref<102400x128xf32, #tpu.memory_space<hbm>> -> memref<102400x128xf32, #tpu.memory_space<hbm>>
    tpu.enqueue_indirect_dma source(%dma_start3A_120 : memref<102400x128xf32, #tpu.memory_space<hbm>>) target(%arg6 : memref<400x128xf32, #tpu.memory_space<vmem>>) offsets(%dma_start3A_117 : memref<400xi32, #tpu.memory_space<vmem>>) semaphore(%arg8 : memref<!tpu.dma_semaphore, #tpu.memory_space<semaphore_mem>>)
    %dma_wait3A_121 = arith.constant 2000 : i32
    %dma_wait3A_122 = tpu.memref_slice %arg5[%dma_wait3A_121] : memref<6400xi32, #tpu.memory_space<vmem>> -> memref<400xi32, #tpu.memory_space<vmem>>
    %dma_wait3A_123 = arith.constant 0 : i32
    %dma_wait3A_124 = arith.constant 0 : i32
    %dma_wait3A_125 = tpu.memref_slice %arg2[%dma_wait3A_123, %dma_wait3A_124] : memref<102400x128xf32, #tpu.memory_space<hbm>> -> memref<102400x128xf32, #tpu.memory_space<hbm>>
    tpu.wait_indirect_dma semaphore(%arg9 : memref<!tpu.dma_semaphore, #tpu.memory_space<semaphore_mem>>) src(%dma_wait3A_125 : memref<102400x128xf32, #tpu.memory_space<hbm>>) dst(%arg7 : memref<400x128xf32, #tpu.memory_space<vmem>>)
    %add3A_126 = arith.constant 2000 : i32
    %add3A_127 = arith.addi %mul3A_2, %add3A_126 : i32
    %dma_start3A_128 = arith.constant 0 : i32
    %dma_start3A_129 = tpu.memref_slice %arg4[%add3A_127, %dma_start3A_128] : memref<204800x128xf32, #tpu.memory_space<hbm>> -> memref<400x128xf32, #tpu.memory_space<hbm>>
    %dma_start3A_130 = arith.constant 0 : i32
    %dma_start3A_131 = tpu.memref_slice %arg4[%add3A_127, %dma_start3A_130] : memref<204800x128xf32, #tpu.memory_space<hbm>> -> memref<400x128xf32, #tpu.memory_space<hbm>>
    tpu.enqueue_dma source(%arg7 : memref<400x128xf32, #tpu.memory_space<vmem>>) target(%dma_start3A_131 : memref<400x128xf32, #tpu.memory_space<hbm>>) target_semaphore(%arg11 : memref<!tpu.dma_semaphore, #tpu.memory_space<semaphore_mem>>)
    %add3A_132 = arith.constant 2000 : i32
    %add3A_133 = arith.addi %mul3A_2, %add3A_132 : i32
    %dma_wait3A_134 = arith.constant 0 : i32
    %dma_wait3A_135 = tpu.memref_slice %arg4[%add3A_133, %dma_wait3A_134] : memref<204800x128xf32, #tpu.memory_space<hbm>> -> memref<400x128xf32, #tpu.memory_space<hbm>>
    %dma_wait3A_136 = arith.constant 0 : i32
    %dma_wait3A_137 = tpu.memref_slice %arg4[%add3A_133, %dma_wait3A_136] : memref<204800x128xf32, #tpu.memory_space<hbm>> -> memref<400x128xf32, #tpu.memory_space<hbm>>
    tpu.wait_dma2 semaphore(%arg11 : memref<!tpu.dma_semaphore, #tpu.memory_space<semaphore_mem>>) src(%arg7 : memref<400x128xf32, #tpu.memory_space<vmem>>) dst(%dma_wait3A_137 : memref<400x128xf32, #tpu.memory_space<hbm>>)
    %dma_start3A_138 = arith.constant 2800 : i32
    %dma_start3A_139 = tpu.memref_slice %arg5[%dma_start3A_138] : memref<6400xi32, #tpu.memory_space<vmem>> -> memref<400xi32, #tpu.memory_space<vmem>>
    %dma_start3A_140 = arith.constant 0 : i32
    %dma_start3A_141 = arith.constant 0 : i32
    %dma_start3A_142 = tpu.memref_slice %arg2[%dma_start3A_140, %dma_start3A_141] : memref<102400x128xf32, #tpu.memory_space<hbm>> -> memref<102400x128xf32, #tpu.memory_space<hbm>>
    tpu.enqueue_indirect_dma source(%dma_start3A_142 : memref<102400x128xf32, #tpu.memory_space<hbm>>) target(%arg7 : memref<400x128xf32, #tpu.memory_space<vmem>>) offsets(%dma_start3A_139 : memref<400xi32, #tpu.memory_space<vmem>>) semaphore(%arg9 : memref<!tpu.dma_semaphore, #tpu.memory_space<semaphore_mem>>)
    %dma_wait3A_143 = arith.constant 2400 : i32
    %dma_wait3A_144 = tpu.memref_slice %arg5[%dma_wait3A_143] : memref<6400xi32, #tpu.memory_space<vmem>> -> memref<400xi32, #tpu.memory_space<vmem>>
    %dma_wait3A_145 = arith.constant 0 : i32
    %dma_wait3A_146 = arith.constant 0 : i32
    %dma_wait3A_147 = tpu.memref_slice %arg2[%dma_wait3A_145, %dma_wait3A_146] : memref<102400x128xf32, #tpu.memory_space<hbm>> -> memref<102400x128xf32, #tpu.memory_space<hbm>>
    tpu.wait_indirect_dma semaphore(%arg8 : memref<!tpu.dma_semaphore, #tpu.memory_space<semaphore_mem>>) src(%dma_wait3A_147 : memref<102400x128xf32, #tpu.memory_space<hbm>>) dst(%arg6 : memref<400x128xf32, #tpu.memory_space<vmem>>)
    %add3A_148 = arith.constant 2400 : i32
    %add3A_149 = arith.addi %mul3A_2, %add3A_148 : i32
    %dma_start3A_150 = arith.constant 0 : i32
    %dma_start3A_151 = tpu.memref_slice %arg4[%add3A_149, %dma_start3A_150] : memref<204800x128xf32, #tpu.memory_space<hbm>> -> memref<400x128xf32, #tpu.memory_space<hbm>>
    %dma_start3A_152 = arith.constant 0 : i32
    %dma_start3A_153 = tpu.memref_slice %arg4[%add3A_149, %dma_start3A_152] : memref<204800x128xf32, #tpu.memory_space<hbm>> -> memref<400x128xf32, #tpu.memory_space<hbm>>
    tpu.enqueue_dma source(%arg6 : memref<400x128xf32, #tpu.memory_space<vmem>>) target(%dma_start3A_153 : memref<400x128xf32, #tpu.memory_space<hbm>>) target_semaphore(%arg10 : memref<!tpu.dma_semaphore, #tpu.memory_space<semaphore_mem>>)
    %add3A_154 = arith.constant 2400 : i32
    %add3A_155 = arith.addi %mul3A_2, %add3A_154 : i32
    %dma_wait3A_156 = arith.constant 0 : i32
    %dma_wait3A_157 = tpu.memref_slice %arg4[%add3A_155, %dma_wait3A_156] : memref<204800x128xf32, #tpu.memory_space<hbm>> -> memref<400x128xf32, #tpu.memory_space<hbm>>
    %dma_wait3A_158 = arith.constant 0 : i32
    %dma_wait3A_159 = tpu.memref_slice %arg4[%add3A_155, %dma_wait3A_158] : memref<204800x128xf32, #tpu.memory_space<hbm>> -> memref<400x128xf32, #tpu.memory_space<hbm>>
    tpu.wait_dma2 semaphore(%arg10 : memref<!tpu.dma_semaphore, #tpu.memory_space<semaphore_mem>>) src(%arg6 : memref<400x128xf32, #tpu.memory_space<vmem>>) dst(%dma_wait3A_159 : memref<400x128xf32, #tpu.memory_space<hbm>>)
    %dma_start3A_160 = arith.constant 3200 : i32
    %dma_start3A_161 = tpu.memref_slice %arg5[%dma_start3A_160] : memref<6400xi32, #tpu.memory_space<vmem>> -> memref<400xi32, #tpu.memory_space<vmem>>
    %dma_start3A_162 = arith.constant 0 : i32
    %dma_start3A_163 = arith.constant 0 : i32
    %dma_start3A_164 = tpu.memref_slice %arg2[%dma_start3A_162, %dma_start3A_163] : memref<102400x128xf32, #tpu.memory_space<hbm>> -> memref<102400x128xf32, #tpu.memory_space<hbm>>
    tpu.enqueue_indirect_dma source(%dma_start3A_164 : memref<102400x128xf32, #tpu.memory_space<hbm>>) target(%arg6 : memref<400x128xf32, #tpu.memory_space<vmem>>) offsets(%dma_start3A_161 : memref<400xi32, #tpu.memory_space<vmem>>) semaphore(%arg8 : memref<!tpu.dma_semaphore, #tpu.memory_space<semaphore_mem>>)
    %dma_wait3A_165 = arith.constant 2800 : i32
    %dma_wait3A_166 = tpu.memref_slice %arg5[%dma_wait3A_165] : memref<6400xi32, #tpu.memory_space<vmem>> -> memref<400xi32, #tpu.memory_space<vmem>>
    %dma_wait3A_167 = arith.constant 0 : i32
    %dma_wait3A_168 = arith.constant 0 : i32
    %dma_wait3A_169 = tpu.memref_slice %arg2[%dma_wait3A_167, %dma_wait3A_168] : memref<102400x128xf32, #tpu.memory_space<hbm>> -> memref<102400x128xf32, #tpu.memory_space<hbm>>
    tpu.wait_indirect_dma semaphore(%arg9 : memref<!tpu.dma_semaphore, #tpu.memory_space<semaphore_mem>>) src(%dma_wait3A_169 : memref<102400x128xf32, #tpu.memory_space<hbm>>) dst(%arg7 : memref<400x128xf32, #tpu.memory_space<vmem>>)
    %add3A_170 = arith.constant 2800 : i32
    %add3A_171 = arith.addi %mul3A_2, %add3A_170 : i32
    %dma_start3A_172 = arith.constant 0 : i32
    %dma_start3A_173 = tpu.memref_slice %arg4[%add3A_171, %dma_start3A_172] : memref<204800x128xf32, #tpu.memory_space<hbm>> -> memref<400x128xf32, #tpu.memory_space<hbm>>
    %dma_start3A_174 = arith.constant 0 : i32
    %dma_start3A_175 = tpu.memref_slice %arg4[%add3A_171, %dma_start3A_174] : memref<204800x128xf32, #tpu.memory_space<hbm>> -> memref<400x128xf32, #tpu.memory_space<hbm>>
    tpu.enqueue_dma source(%arg7 : memref<400x128xf32, #tpu.memory_space<vmem>>) target(%dma_start3A_175 : memref<400x128xf32, #tpu.memory_space<hbm>>) target_semaphore(%arg11 : memref<!tpu.dma_semaphore, #tpu.memory_space<semaphore_mem>>)
    %add3A_176 = arith.constant 2800 : i32
    %add3A_177 = arith.addi %mul3A_2, %add3A_176 : i32
    %dma_wait3A_178 = arith.constant 0 : i32
    %dma_wait3A_179 = tpu.memref_slice %arg4[%add3A_177, %dma_wait3A_178] : memref<204800x128xf32, #tpu.memory_space<hbm>> -> memref<400x128xf32, #tpu.memory_space<hbm>>
    %dma_wait3A_180 = arith.constant 0 : i32
    %dma_wait3A_181 = tpu.memref_slice %arg4[%add3A_177, %dma_wait3A_180] : memref<204800x128xf32, #tpu.memory_space<hbm>> -> memref<400x128xf32, #tpu.memory_space<hbm>>
    tpu.wait_dma2 semaphore(%arg11 : memref<!tpu.dma_semaphore, #tpu.memory_space<semaphore_mem>>) src(%arg7 : memref<400x128xf32, #tpu.memory_space<vmem>>) dst(%dma_wait3A_181 : memref<400x128xf32, #tpu.memory_space<hbm>>)
    %dma_start3A_182 = arith.constant 3600 : i32
    %dma_start3A_183 = tpu.memref_slice %arg5[%dma_start3A_182] : memref<6400xi32, #tpu.memory_space<vmem>> -> memref<400xi32, #tpu.memory_space<vmem>>
    %dma_start3A_184 = arith.constant 0 : i32
    %dma_start3A_185 = arith.constant 0 : i32
    %dma_start3A_186 = tpu.memref_slice %arg2[%dma_start3A_184, %dma_start3A_185] : memref<102400x128xf32, #tpu.memory_space<hbm>> -> memref<102400x128xf32, #tpu.memory_space<hbm>>
    tpu.enqueue_indirect_dma source(%dma_start3A_186 : memref<102400x128xf32, #tpu.memory_space<hbm>>) target(%arg7 : memref<400x128xf32, #tpu.memory_space<vmem>>) offsets(%dma_start3A_183 : memref<400xi32, #tpu.memory_space<vmem>>) semaphore(%arg9 : memref<!tpu.dma_semaphore, #tpu.memory_space<semaphore_mem>>)
    %dma_wait3A_187 = arith.constant 3200 : i32
    %dma_wait3A_188 = tpu.memref_slice %arg5[%dma_wait3A_187] : memref<6400xi32, #tpu.memory_space<vmem>> -> memref<400xi32, #tpu.memory_space<vmem>>
    %dma_wait3A_189 = arith.constant 0 : i32
    %dma_wait3A_190 = arith.constant 0 : i32
    %dma_wait3A_191 = tpu.memref_slice %arg2[%dma_wait3A_189, %dma_wait3A_190] : memref<102400x128xf32, #tpu.memory_space<hbm>> -> memref<102400x128xf32, #tpu.memory_space<hbm>>
    tpu.wait_indirect_dma semaphore(%arg8 : memref<!tpu.dma_semaphore, #tpu.memory_space<semaphore_mem>>) src(%dma_wait3A_191 : memref<102400x128xf32, #tpu.memory_space<hbm>>) dst(%arg6 : memref<400x128xf32, #tpu.memory_space<vmem>>)
    %add3A_192 = arith.constant 3200 : i32
    %add3A_193 = arith.addi %mul3A_2, %add3A_192 : i32
    %dma_start3A_194 = arith.constant 0 : i32
    %dma_start3A_195 = tpu.memref_slice %arg4[%add3A_193, %dma_start3A_194] : memref<204800x128xf32, #tpu.memory_space<hbm>> -> memref<400x128xf32, #tpu.memory_space<hbm>>
    %dma_start3A_196 = arith.constant 0 : i32
    %dma_start3A_197 = tpu.memref_slice %arg4[%add3A_193, %dma_start3A_196] : memref<204800x128xf32, #tpu.memory_space<hbm>> -> memref<400x128xf32, #tpu.memory_space<hbm>>
    tpu.enqueue_dma source(%arg6 : memref<400x128xf32, #tpu.memory_space<vmem>>) target(%dma_start3A_197 : memref<400x128xf32, #tpu.memory_space<hbm>>) target_semaphore(%arg10 : memref<!tpu.dma_semaphore, #tpu.memory_space<semaphore_mem>>)
    %add3A_198 = arith.constant 3200 : i32
    %add3A_199 = arith.addi %mul3A_2, %add3A_198 : i32
    %dma_wait3A_200 = arith.constant 0 : i32
    %dma_wait3A_201 = tpu.memref_slice %arg4[%add3A_199, %dma_wait3A_200] : memref<204800x128xf32, #tpu.memory_space<hbm>> -> memref<400x128xf32, #tpu.memory_space<hbm>>
    %dma_wait3A_202 = arith.constant 0 : i32
    %dma_wait3A_203 = tpu.memref_slice %arg4[%add3A_199, %dma_wait3A_202] : memref<204800x128xf32, #tpu.memory_space<hbm>> -> memref<400x128xf32, #tpu.memory_space<hbm>>
    tpu.wait_dma2 semaphore(%arg10 : memref<!tpu.dma_semaphore, #tpu.memory_space<semaphore_mem>>) src(%arg6 : memref<400x128xf32, #tpu.memory_space<vmem>>) dst(%dma_wait3A_203 : memref<400x128xf32, #tpu.memory_space<hbm>>)
    %dma_start3A_204 = arith.constant 4000 : i32
    %dma_start3A_205 = tpu.memref_slice %arg5[%dma_start3A_204] : memref<6400xi32, #tpu.memory_space<vmem>> -> memref<400xi32, #tpu.memory_space<vmem>>
    %dma_start3A_206 = arith.constant 0 : i32
    %dma_start3A_207 = arith.constant 0 : i32
    %dma_start3A_208 = tpu.memref_slice %arg2[%dma_start3A_206, %dma_start3A_207] : memref<102400x128xf32, #tpu.memory_space<hbm>> -> memref<102400x128xf32, #tpu.memory_space<hbm>>
    tpu.enqueue_indirect_dma source(%dma_start3A_208 : memref<102400x128xf32, #tpu.memory_space<hbm>>) target(%arg6 : memref<400x128xf32, #tpu.memory_space<vmem>>) offsets(%dma_start3A_205 : memref<400xi32, #tpu.memory_space<vmem>>) semaphore(%arg8 : memref<!tpu.dma_semaphore, #tpu.memory_space<semaphore_mem>>)
    %dma_wait3A_209 = arith.constant 3600 : i32
    %dma_wait3A_210 = tpu.memref_slice %arg5[%dma_wait3A_209] : memref<6400xi32, #tpu.memory_space<vmem>> -> memref<400xi32, #tpu.memory_space<vmem>>
    %dma_wait3A_211 = arith.constant 0 : i32
    %dma_wait3A_212 = arith.constant 0 : i32
    %dma_wait3A_213 = tpu.memref_slice %arg2[%dma_wait3A_211, %dma_wait3A_212] : memref<102400x128xf32, #tpu.memory_space<hbm>> -> memref<102400x128xf32, #tpu.memory_space<hbm>>
    tpu.wait_indirect_dma semaphore(%arg9 : memref<!tpu.dma_semaphore, #tpu.memory_space<semaphore_mem>>) src(%dma_wait3A_213 : memref<102400x128xf32, #tpu.memory_space<hbm>>) dst(%arg7 : memref<400x128xf32, #tpu.memory_space<vmem>>)
    %add3A_214 = arith.constant 3600 : i32
    %add3A_215 = arith.addi %mul3A_2, %add3A_214 : i32
    %dma_start3A_216 = arith.constant 0 : i32
    %dma_start3A_217 = tpu.memref_slice %arg4[%add3A_215, %dma_start3A_216] : memref<204800x128xf32, #tpu.memory_space<hbm>> -> memref<400x128xf32, #tpu.memory_space<hbm>>
    %dma_start3A_218 = arith.constant 0 : i32
    %dma_start3A_219 = tpu.memref_slice %arg4[%add3A_215, %dma_start3A_218] : memref<204800x128xf32, #tpu.memory_space<hbm>> -> memref<400x128xf32, #tpu.memory_space<hbm>>
    tpu.enqueue_dma source(%arg7 : memref<400x128xf32, #tpu.memory_space<vmem>>) target(%dma_start3A_219 : memref<400x128xf32, #tpu.memory_space<hbm>>) target_semaphore(%arg11 : memref<!tpu.dma_semaphore, #tpu.memory_space<semaphore_mem>>)
    %add3A_220 = arith.constant 3600 : i32
    %add3A_221 = arith.addi %mul3A_2, %add3A_220 : i32
    %dma_wait3A_222 = arith.constant 0 : i32
    %dma_wait3A_223 = tpu.memref_slice %arg4[%add3A_221, %dma_wait3A_222] : memref<204800x128xf32, #tpu.memory_space<hbm>> -> memref<400x128xf32, #tpu.memory_space<hbm>>
    %dma_wait3A_224 = arith.constant 0 : i32
    %dma_wait3A_225 = tpu.memref_slice %arg4[%add3A_221, %dma_wait3A_224] : memref<204800x128xf32, #tpu.memory_space<hbm>> -> memref<400x128xf32, #tpu.memory_space<hbm>>
    tpu.wait_dma2 semaphore(%arg11 : memref<!tpu.dma_semaphore, #tpu.memory_space<semaphore_mem>>) src(%arg7 : memref<400x128xf32, #tpu.memory_space<vmem>>) dst(%dma_wait3A_225 : memref<400x128xf32, #tpu.memory_space<hbm>>)
    %dma_start3A_226 = arith.constant 4400 : i32
    %dma_start3A_227 = tpu.memref_slice %arg5[%dma_start3A_226] : memref<6400xi32, #tpu.memory_space<vmem>> -> memref<400xi32, #tpu.memory_space<vmem>>
    %dma_start3A_228 = arith.constant 0 : i32
    %dma_start3A_229 = arith.constant 0 : i32
    %dma_start3A_230 = tpu.memref_slice %arg2[%dma_start3A_228, %dma_start3A_229] : memref<102400x128xf32, #tpu.memory_space<hbm>> -> memref<102400x128xf32, #tpu.memory_space<hbm>>
    tpu.enqueue_indirect_dma source(%dma_start3A_230 : memref<102400x128xf32, #tpu.memory_space<hbm>>) target(%arg7 : memref<400x128xf32, #tpu.memory_space<vmem>>) offsets(%dma_start3A_227 : memref<400xi32, #tpu.memory_space<vmem>>) semaphore(%arg9 : memref<!tpu.dma_semaphore, #tpu.memory_space<semaphore_mem>>)
    %dma_wait3A_231 = arith.constant 4000 : i32
    %dma_wait3A_232 = tpu.memref_slice %arg5[%dma_wait3A_231] : memref<6400xi32, #tpu.memory_space<vmem>> -> memref<400xi32, #tpu.memory_space<vmem>>
    %dma_wait3A_233 = arith.constant 0 : i32
    %dma_wait3A_234 = arith.constant 0 : i32
    %dma_wait3A_235 = tpu.memref_slice %arg2[%dma_wait3A_233, %dma_wait3A_234] : memref<102400x128xf32, #tpu.memory_space<hbm>> -> memref<102400x128xf32, #tpu.memory_space<hbm>>
    tpu.wait_indirect_dma semaphore(%arg8 : memref<!tpu.dma_semaphore, #tpu.memory_space<semaphore_mem>>) src(%dma_wait3A_235 : memref<102400x128xf32, #tpu.memory_space<hbm>>) dst(%arg6 : memref<400x128xf32, #tpu.memory_space<vmem>>)
    %add3A_236 = arith.constant 4000 : i32
    %add3A_237 = arith.addi %mul3A_2, %add3A_236 : i32
    %dma_start3A_238 = arith.constant 0 : i32
    %dma_start3A_239 = tpu.memref_slice %arg4[%add3A_237, %dma_start3A_238] : memref<204800x128xf32, #tpu.memory_space<hbm>> -> memref<400x128xf32, #tpu.memory_space<hbm>>
    %dma_start3A_240 = arith.constant 0 : i32
    %dma_start3A_241 = tpu.memref_slice %arg4[%add3A_237, %dma_start3A_240] : memref<204800x128xf32, #tpu.memory_space<hbm>> -> memref<400x128xf32, #tpu.memory_space<hbm>>
    tpu.enqueue_dma source(%arg6 : memref<400x128xf32, #tpu.memory_space<vmem>>) target(%dma_start3A_241 : memref<400x128xf32, #tpu.memory_space<hbm>>) target_semaphore(%arg10 : memref<!tpu.dma_semaphore, #tpu.memory_space<semaphore_mem>>)
    %add3A_242 = arith.constant 4000 : i32
    %add3A_243 = arith.addi %mul3A_2, %add3A_242 : i32
    %dma_wait3A_244 = arith.constant 0 : i32
    %dma_wait3A_245 = tpu.memref_slice %arg4[%add3A_243, %dma_wait3A_244] : memref<204800x128xf32, #tpu.memory_space<hbm>> -> memref<400x128xf32, #tpu.memory_space<hbm>>
    %dma_wait3A_246 = arith.constant 0 : i32
    %dma_wait3A_247 = tpu.memref_slice %arg4[%add3A_243, %dma_wait3A_246] : memref<204800x128xf32, #tpu.memory_space<hbm>> -> memref<400x128xf32, #tpu.memory_space<hbm>>
    tpu.wait_dma2 semaphore(%arg10 : memref<!tpu.dma_semaphore, #tpu.memory_space<semaphore_mem>>) src(%arg6 : memref<400x128xf32, #tpu.memory_space<vmem>>) dst(%dma_wait3A_247 : memref<400x128xf32, #tpu.memory_space<hbm>>)
    %dma_start3A_248 = arith.constant 4800 : i32
    %dma_start3A_249 = tpu.memref_slice %arg5[%dma_start3A_248] : memref<6400xi32, #tpu.memory_space<vmem>> -> memref<400xi32, #tpu.memory_space<vmem>>
    %dma_start3A_250 = arith.constant 0 : i32
    %dma_start3A_251 = arith.constant 0 : i32
    %dma_start3A_252 = tpu.memref_slice %arg2[%dma_start3A_250, %dma_start3A_251] : memref<102400x128xf32, #tpu.memory_space<hbm>> -> memref<102400x128xf32, #tpu.memory_space<hbm>>
    tpu.enqueue_indirect_dma source(%dma_start3A_252 : memref<102400x128xf32, #tpu.memory_space<hbm>>) target(%arg6 : memref<400x128xf32, #tpu.memory_space<vmem>>) offsets(%dma_start3A_249 : memref<400xi32, #tpu.memory_space<vmem>>) semaphore(%arg8 : memref<!tpu.dma_semaphore, #tpu.memory_space<semaphore_mem>>)
    %dma_wait3A_253 = arith.constant 4400 : i32
    %dma_wait3A_254 = tpu.memref_slice %arg5[%dma_wait3A_253] : memref<6400xi32, #tpu.memory_space<vmem>> -> memref<400xi32, #tpu.memory_space<vmem>>
    %dma_wait3A_255 = arith.constant 0 : i32
    %dma_wait3A_256 = arith.constant 0 : i32
    %dma_wait3A_257 = tpu.memref_slice %arg2[%dma_wait3A_255, %dma_wait3A_256] : memref<102400x128xf32, #tpu.memory_space<hbm>> -> memref<102400x128xf32, #tpu.memory_space<hbm>>
    tpu.wait_indirect_dma semaphore(%arg9 : memref<!tpu.dma_semaphore, #tpu.memory_space<semaphore_mem>>) src(%dma_wait3A_257 : memref<102400x128xf32, #tpu.memory_space<hbm>>) dst(%arg7 : memref<400x128xf32, #tpu.memory_space<vmem>>)
    %add3A_258 = arith.constant 4400 : i32
    %add3A_259 = arith.addi %mul3A_2, %add3A_258 : i32
    %dma_start3A_260 = arith.constant 0 : i32
    %dma_start3A_261 = tpu.memref_slice %arg4[%add3A_259, %dma_start3A_260] : memref<204800x128xf32, #tpu.memory_space<hbm>> -> memref<400x128xf32, #tpu.memory_space<hbm>>
    %dma_start3A_262 = arith.constant 0 : i32
    %dma_start3A_263 = tpu.memref_slice %arg4[%add3A_259, %dma_start3A_262] : memref<204800x128xf32, #tpu.memory_space<hbm>> -> memref<400x128xf32, #tpu.memory_space<hbm>>
    tpu.enqueue_dma source(%arg7 : memref<400x128xf32, #tpu.memory_space<vmem>>) target(%dma_start3A_263 : memref<400x128xf32, #tpu.memory_space<hbm>>) target_semaphore(%arg11 : memref<!tpu.dma_semaphore, #tpu.memory_space<semaphore_mem>>)
    %add3A_264 = arith.constant 4400 : i32
    %add3A_265 = arith.addi %mul3A_2, %add3A_264 : i32
    %dma_wait3A_266 = arith.constant 0 : i32
    %dma_wait3A_267 = tpu.memref_slice %arg4[%add3A_265, %dma_wait3A_266] : memref<204800x128xf32, #tpu.memory_space<hbm>> -> memref<400x128xf32, #tpu.memory_space<hbm>>
    %dma_wait3A_268 = arith.constant 0 : i32
    %dma_wait3A_269 = tpu.memref_slice %arg4[%add3A_265, %dma_wait3A_268] : memref<204800x128xf32, #tpu.memory_space<hbm>> -> memref<400x128xf32, #tpu.memory_space<hbm>>
    tpu.wait_dma2 semaphore(%arg11 : memref<!tpu.dma_semaphore, #tpu.memory_space<semaphore_mem>>) src(%arg7 : memref<400x128xf32, #tpu.memory_space<vmem>>) dst(%dma_wait3A_269 : memref<400x128xf32, #tpu.memory_space<hbm>>)
    %dma_start3A_270 = arith.constant 5200 : i32
    %dma_start3A_271 = tpu.memref_slice %arg5[%dma_start3A_270] : memref<6400xi32, #tpu.memory_space<vmem>> -> memref<400xi32, #tpu.memory_space<vmem>>
    %dma_start3A_272 = arith.constant 0 : i32
    %dma_start3A_273 = arith.constant 0 : i32
    %dma_start3A_274 = tpu.memref_slice %arg2[%dma_start3A_272, %dma_start3A_273] : memref<102400x128xf32, #tpu.memory_space<hbm>> -> memref<102400x128xf32, #tpu.memory_space<hbm>>
    tpu.enqueue_indirect_dma source(%dma_start3A_274 : memref<102400x128xf32, #tpu.memory_space<hbm>>) target(%arg7 : memref<400x128xf32, #tpu.memory_space<vmem>>) offsets(%dma_start3A_271 : memref<400xi32, #tpu.memory_space<vmem>>) semaphore(%arg9 : memref<!tpu.dma_semaphore, #tpu.memory_space<semaphore_mem>>)
    %dma_wait3A_275 = arith.constant 4800 : i32
    %dma_wait3A_276 = tpu.memref_slice %arg5[%dma_wait3A_275] : memref<6400xi32, #tpu.memory_space<vmem>> -> memref<400xi32, #tpu.memory_space<vmem>>
    %dma_wait3A_277 = arith.constant 0 : i32
    %dma_wait3A_278 = arith.constant 0 : i32
    %dma_wait3A_279 = tpu.memref_slice %arg2[%dma_wait3A_277, %dma_wait3A_278] : memref<102400x128xf32, #tpu.memory_space<hbm>> -> memref<102400x128xf32, #tpu.memory_space<hbm>>
    tpu.wait_indirect_dma semaphore(%arg8 : memref<!tpu.dma_semaphore, #tpu.memory_space<semaphore_mem>>) src(%dma_wait3A_279 : memref<102400x128xf32, #tpu.memory_space<hbm>>) dst(%arg6 : memref<400x128xf32, #tpu.memory_space<vmem>>)
    %add3A_280 = arith.constant 4800 : i32
    %add3A_281 = arith.addi %mul3A_2, %add3A_280 : i32
    %dma_start3A_282 = arith.constant 0 : i32
    %dma_start3A_283 = tpu.memref_slice %arg4[%add3A_281, %dma_start3A_282] : memref<204800x128xf32, #tpu.memory_space<hbm>> -> memref<400x128xf32, #tpu.memory_space<hbm>>
    %dma_start3A_284 = arith.constant 0 : i32
    %dma_start3A_285 = tpu.memref_slice %arg4[%add3A_281, %dma_start3A_284] : memref<204800x128xf32, #tpu.memory_space<hbm>> -> memref<400x128xf32, #tpu.memory_space<hbm>>
    tpu.enqueue_dma source(%arg6 : memref<400x128xf32, #tpu.memory_space<vmem>>) target(%dma_start3A_285 : memref<400x128xf32, #tpu.memory_space<hbm>>) target_semaphore(%arg10 : memref<!tpu.dma_semaphore, #tpu.memory_space<semaphore_mem>>)
    %add3A_286 = arith.constant 4800 : i32
    %add3A_287 = arith.addi %mul3A_2, %add3A_286 : i32
    %dma_wait3A_288 = arith.constant 0 : i32
    %dma_wait3A_289 = tpu.memref_slice %arg4[%add3A_287, %dma_wait3A_288] : memref<204800x128xf32, #tpu.memory_space<hbm>> -> memref<400x128xf32, #tpu.memory_space<hbm>>
    %dma_wait3A_290 = arith.constant 0 : i32
    %dma_wait3A_291 = tpu.memref_slice %arg4[%add3A_287, %dma_wait3A_290] : memref<204800x128xf32, #tpu.memory_space<hbm>> -> memref<400x128xf32, #tpu.memory_space<hbm>>
    tpu.wait_dma2 semaphore(%arg10 : memref<!tpu.dma_semaphore, #tpu.memory_space<semaphore_mem>>) src(%arg6 : memref<400x128xf32, #tpu.memory_space<vmem>>) dst(%dma_wait3A_291 : memref<400x128xf32, #tpu.memory_space<hbm>>)
    %dma_start3A_292 = arith.constant 5600 : i32
    %dma_start3A_293 = tpu.memref_slice %arg5[%dma_start3A_292] : memref<6400xi32, #tpu.memory_space<vmem>> -> memref<400xi32, #tpu.memory_space<vmem>>
    %dma_start3A_294 = arith.constant 0 : i32
    %dma_start3A_295 = arith.constant 0 : i32
    %dma_start3A_296 = tpu.memref_slice %arg2[%dma_start3A_294, %dma_start3A_295] : memref<102400x128xf32, #tpu.memory_space<hbm>> -> memref<102400x128xf32, #tpu.memory_space<hbm>>
    tpu.enqueue_indirect_dma source(%dma_start3A_296 : memref<102400x128xf32, #tpu.memory_space<hbm>>) target(%arg6 : memref<400x128xf32, #tpu.memory_space<vmem>>) offsets(%dma_start3A_293 : memref<400xi32, #tpu.memory_space<vmem>>) semaphore(%arg8 : memref<!tpu.dma_semaphore, #tpu.memory_space<semaphore_mem>>)
    %dma_wait3A_297 = arith.constant 5200 : i32
    %dma_wait3A_298 = tpu.memref_slice %arg5[%dma_wait3A_297] : memref<6400xi32, #tpu.memory_space<vmem>> -> memref<400xi32, #tpu.memory_space<vmem>>
    %dma_wait3A_299 = arith.constant 0 : i32
    %dma_wait3A_300 = arith.constant 0 : i32
    %dma_wait3A_301 = tpu.memref_slice %arg2[%dma_wait3A_299, %dma_wait3A_300] : memref<102400x128xf32, #tpu.memory_space<hbm>> -> memref<102400x128xf32, #tpu.memory_space<hbm>>
    tpu.wait_indirect_dma semaphore(%arg9 : memref<!tpu.dma_semaphore, #tpu.memory_space<semaphore_mem>>) src(%dma_wait3A_301 : memref<102400x128xf32, #tpu.memory_space<hbm>>) dst(%arg7 : memref<400x128xf32, #tpu.memory_space<vmem>>)
    %add3A_302 = arith.constant 5200 : i32
    %add3A_303 = arith.addi %mul3A_2, %add3A_302 : i32
    %dma_start3A_304 = arith.constant 0 : i32
    %dma_start3A_305 = tpu.memref_slice %arg4[%add3A_303, %dma_start3A_304] : memref<204800x128xf32, #tpu.memory_space<hbm>> -> memref<400x128xf32, #tpu.memory_space<hbm>>
    %dma_start3A_306 = arith.constant 0 : i32
    %dma_start3A_307 = tpu.memref_slice %arg4[%add3A_303, %dma_start3A_306] : memref<204800x128xf32, #tpu.memory_space<hbm>> -> memref<400x128xf32, #tpu.memory_space<hbm>>
    tpu.enqueue_dma source(%arg7 : memref<400x128xf32, #tpu.memory_space<vmem>>) target(%dma_start3A_307 : memref<400x128xf32, #tpu.memory_space<hbm>>) target_semaphore(%arg11 : memref<!tpu.dma_semaphore, #tpu.memory_space<semaphore_mem>>)
    %add3A_308 = arith.constant 5200 : i32
    %add3A_309 = arith.addi %mul3A_2, %add3A_308 : i32
    %dma_wait3A_310 = arith.constant 0 : i32
    %dma_wait3A_311 = tpu.memref_slice %arg4[%add3A_309, %dma_wait3A_310] : memref<204800x128xf32, #tpu.memory_space<hbm>> -> memref<400x128xf32, #tpu.memory_space<hbm>>
    %dma_wait3A_312 = arith.constant 0 : i32
    %dma_wait3A_313 = tpu.memref_slice %arg4[%add3A_309, %dma_wait3A_312] : memref<204800x128xf32, #tpu.memory_space<hbm>> -> memref<400x128xf32, #tpu.memory_space<hbm>>
    tpu.wait_dma2 semaphore(%arg11 : memref<!tpu.dma_semaphore, #tpu.memory_space<semaphore_mem>>) src(%arg7 : memref<400x128xf32, #tpu.memory_space<vmem>>) dst(%dma_wait3A_313 : memref<400x128xf32, #tpu.memory_space<hbm>>)
    %dma_start3A_314 = arith.constant 6000 : i32
    %dma_start3A_315 = tpu.memref_slice %arg5[%dma_start3A_314] : memref<6400xi32, #tpu.memory_space<vmem>> -> memref<400xi32, #tpu.memory_space<vmem>>
    %dma_start3A_316 = arith.constant 0 : i32
    %dma_start3A_317 = arith.constant 0 : i32
    %dma_start3A_318 = tpu.memref_slice %arg2[%dma_start3A_316, %dma_start3A_317] : memref<102400x128xf32, #tpu.memory_space<hbm>> -> memref<102400x128xf32, #tpu.memory_space<hbm>>
    tpu.enqueue_indirect_dma source(%dma_start3A_318 : memref<102400x128xf32, #tpu.memory_space<hbm>>) target(%arg7 : memref<400x128xf32, #tpu.memory_space<vmem>>) offsets(%dma_start3A_315 : memref<400xi32, #tpu.memory_space<vmem>>) semaphore(%arg9 : memref<!tpu.dma_semaphore, #tpu.memory_space<semaphore_mem>>)
    %dma_wait3A_319 = arith.constant 5600 : i32
    %dma_wait3A_320 = tpu.memref_slice %arg5[%dma_wait3A_319] : memref<6400xi32, #tpu.memory_space<vmem>> -> memref<400xi32, #tpu.memory_space<vmem>>
    %dma_wait3A_321 = arith.constant 0 : i32
    %dma_wait3A_322 = arith.constant 0 : i32
    %dma_wait3A_323 = tpu.memref_slice %arg2[%dma_wait3A_321, %dma_wait3A_322] : memref<102400x128xf32, #tpu.memory_space<hbm>> -> memref<102400x128xf32, #tpu.memory_space<hbm>>
    tpu.wait_indirect_dma semaphore(%arg8 : memref<!tpu.dma_semaphore, #tpu.memory_space<semaphore_mem>>) src(%dma_wait3A_323 : memref<102400x128xf32, #tpu.memory_space<hbm>>) dst(%arg6 : memref<400x128xf32, #tpu.memory_space<vmem>>)
    %add3A_324 = arith.constant 5600 : i32
    %add3A_325 = arith.addi %mul3A_2, %add3A_324 : i32
    %dma_start3A_326 = arith.constant 0 : i32
    %dma_start3A_327 = tpu.memref_slice %arg4[%add3A_325, %dma_start3A_326] : memref<204800x128xf32, #tpu.memory_space<hbm>> -> memref<400x128xf32, #tpu.memory_space<hbm>>
    %dma_start3A_328 = arith.constant 0 : i32
    %dma_start3A_329 = tpu.memref_slice %arg4[%add3A_325, %dma_start3A_328] : memref<204800x128xf32, #tpu.memory_space<hbm>> -> memref<400x128xf32, #tpu.memory_space<hbm>>
    tpu.enqueue_dma source(%arg6 : memref<400x128xf32, #tpu.memory_space<vmem>>) target(%dma_start3A_329 : memref<400x128xf32, #tpu.memory_space<hbm>>) target_semaphore(%arg10 : memref<!tpu.dma_semaphore, #tpu.memory_space<semaphore_mem>>)
    %dma_wait3A_330 = arith.constant 6000 : i32
    %dma_wait3A_331 = tpu.memref_slice %arg5[%dma_wait3A_330] : memref<6400xi32, #tpu.memory_space<vmem>> -> memref<400xi32, #tpu.memory_space<vmem>>
    %dma_wait3A_332 = arith.constant 0 : i32
    %dma_wait3A_333 = arith.constant 0 : i32
    %dma_wait3A_334 = tpu.memref_slice %arg2[%dma_wait3A_332, %dma_wait3A_333] : memref<102400x128xf32, #tpu.memory_space<hbm>> -> memref<102400x128xf32, #tpu.memory_space<hbm>>
    tpu.wait_indirect_dma semaphore(%arg9 : memref<!tpu.dma_semaphore, #tpu.memory_space<semaphore_mem>>) src(%dma_wait3A_334 : memref<102400x128xf32, #tpu.memory_space<hbm>>) dst(%arg7 : memref<400x128xf32, #tpu.memory_space<vmem>>)
    %add3A_335 = arith.constant 6000 : i32
    %add3A_336 = arith.addi %mul3A_2, %add3A_335 : i32
    %dma_start3A_337 = arith.constant 0 : i32
    %dma_start3A_338 = tpu.memref_slice %arg4[%add3A_336, %dma_start3A_337] : memref<204800x128xf32, #tpu.memory_space<hbm>> -> memref<400x128xf32, #tpu.memory_space<hbm>>
    %dma_start3A_339 = arith.constant 0 : i32
    %dma_start3A_340 = tpu.memref_slice %arg4[%add3A_336, %dma_start3A_339] : memref<204800x128xf32, #tpu.memory_space<hbm>> -> memref<400x128xf32, #tpu.memory_space<hbm>>
    tpu.enqueue_dma source(%arg7 : memref<400x128xf32, #tpu.memory_space<vmem>>) target(%dma_start3A_340 : memref<400x128xf32, #tpu.memory_space<hbm>>) target_semaphore(%arg11 : memref<!tpu.dma_semaphore, #tpu.memory_space<semaphore_mem>>)
    %add3A_341 = arith.constant 5600 : i32
    %add3A_342 = arith.addi %mul3A_2, %add3A_341 : i32
    %dma_wait3A_343 = arith.constant 0 : i32
    %dma_wait3A_344 = tpu.memref_slice %arg4[%add3A_342, %dma_wait3A_343] : memref<204800x128xf32, #tpu.memory_space<hbm>> -> memref<400x128xf32, #tpu.memory_space<hbm>>
    %dma_wait3A_345 = arith.constant 0 : i32
    %dma_wait3A_346 = tpu.memref_slice %arg4[%add3A_342, %dma_wait3A_345] : memref<204800x128xf32, #tpu.memory_space<hbm>> -> memref<400x128xf32, #tpu.memory_space<hbm>>
    tpu.wait_dma2 semaphore(%arg10 : memref<!tpu.dma_semaphore, #tpu.memory_space<semaphore_mem>>) src(%arg6 : memref<400x128xf32, #tpu.memory_space<vmem>>) dst(%dma_wait3A_346 : memref<400x128xf32, #tpu.memory_space<hbm>>)
    %add3A_347 = arith.constant 6000 : i32
    %add3A_348 = arith.addi %mul3A_2, %add3A_347 : i32
    %dma_wait3A_349 = arith.constant 0 : i32
    %dma_wait3A_350 = tpu.memref_slice %arg4[%add3A_348, %dma_wait3A_349] : memref<204800x128xf32, #tpu.memory_space<hbm>> -> memref<400x128xf32, #tpu.memory_space<hbm>>
    %dma_wait3A_351 = arith.constant 0 : i32
    %dma_wait3A_352 = tpu.memref_slice %arg4[%add3A_348, %dma_wait3A_351] : memref<204800x128xf32, #tpu.memory_space<hbm>> -> memref<400x128xf32, #tpu.memory_space<hbm>>
    tpu.wait_dma2 semaphore(%arg11 : memref<!tpu.dma_semaphore, #tpu.memory_space<semaphore_mem>>) src(%arg7 : memref<400x128xf32, #tpu.memory_space<vmem>>) dst(%dma_wait3A_352 : memref<400x128xf32, #tpu.memory_space<hbm>>)
    return
  }
}

module attributes {stable_mosaic.version = 14 : i64} {
  func.func @body(%arg0: i32, %arg1: memref<100x4096xf32, #tpu.memory_space<vmem>>, %arg2: memref<4096x128xf32, #tpu.memory_space<vmem>>) attributes {dimension_semantics = [#tpu.dimension_semantics<arbitrary>], iteration_bounds = array<i64: 25>, scalar_prefetch = 0 : i64, scratch_operands = 0 : i64, tpu.core_type = #tpu.core_type<tc>, window_params = [{transform_indices = @transform_0, window_bounds = array<i64: 100, 4096>}, {transform_indices = @transform_1, window_bounds = array<i64: 4096, 128>}]} {
    %get3A = arith.constant 0 : index
    %get3A_0 = arith.constant 0 : index
    %get3A_1 = vector.load %arg1[%get3A, %get3A_0] : memref<100x4096xf32, #tpu.memory_space<vmem>>, vector<100x4096xf32>
    %transpose3A = tpu.transpose %get3A_1, [1, 0] : vector<100x4096xf32> -> vector<4096x100xf32>
    %jit3A = arith.constant 0 : i32
    %convert_element_type3A = arith.sitofp %jit3A : i32 to f32
    %pad3A = vector.broadcast %convert_element_type3A : f32 to vector<4096x28xf32>
    %pad3A_2 = tpu.concatenate %transpose3A, %pad3A in 1 : vector<4096x100xf32>, vector<4096x28xf32> -> vector<4096x128xf32>
    %iota3A = tpu.iota {dimensions = array<i32: 1>} : vector<4096x128xi32>
    %eq3A = arith.constant 100 : i32
    %eq3A_3 = vector.broadcast %eq3A : i32 to vector<4096x128xi32>
    %eq3A_4 = arith.cmpi eq, %iota3A, %eq3A_3 : vector<4096x128xi32>
    %jit3A_5 = arith.constant 1.000000e+00 : f32
    %broadcast_in_dim3A = vector.broadcast %jit3A_5 : f32 to vector<4096x128xf32>
    %select_n3A = arith.select %eq3A_4, %broadcast_in_dim3A, %pad3A_2 : vector<4096x128xi1>, vector<4096x128xf32>
    %swap3A = arith.constant 0 : index
    %swap3A_6 = arith.constant 0 : index
    %swap3A_7 = vector.load %arg2[%swap3A, %swap3A_6] : memref<4096x128xf32, #tpu.memory_space<vmem>>, vector<4096x128xf32>
    tpu.vector_store %arg2[%swap3A, %swap3A_6], %select_n3A {strides = array<i32>} : memref<4096x128xf32, #tpu.memory_space<vmem>>, vector<4096x128xf32>,
    return
  }
  func.func @transform_0(%arg0: i32) -> (i32, i32) {
    %c0_i32 = arith.constant 0 : i32
    %c0_i32_0 = arith.constant 0 : i32
    return %c0_i32, %arg0 : i32, i32
  }
  func.func @transform_1(%arg0: i32) -> (i32, i32) {
    %c0_i32 = arith.constant 0 : i32
    %c0_i32_0 = arith.constant 0 : i32
    return %arg0, %c0_i32 : i32, i32
  }
}

module attributes {stable_mosaic.version = 14 : i64} {
  func.func @_bilstm_step(%arg0: i32, %arg1: memref<8x1024x128xf32, #tpu.memory_space<vmem>>, %arg2: memref<8x1024x128xf32, #tpu.memory_space<vmem>>, %arg3: memref<256x512xbf16, #tpu.memory_space<vmem>>, %arg4: memref<256x512xbf16, #tpu.memory_space<vmem>>, %arg5: memref<128x20xbf16, #tpu.memory_space<vmem>>, %arg6: memref<128x20xbf16, #tpu.memory_space<vmem>>, %arg7: memref<1x20xf32, #tpu.memory_space<vmem>>, %arg8: memref<8x1024x20xbf16, #tpu.memory_space<vmem>>, %arg9: memref<8x1024x20xbf16, #tpu.memory_space<vmem>>, %arg10: memref<1024x128xbf16, #tpu.memory_space<vmem>>, %arg11: memref<1024x128xf32, #tpu.memory_space<vmem>>, %arg12: memref<1024x128xbf16, #tpu.memory_space<vmem>>, %arg13: memref<1024x128xf32, #tpu.memory_space<vmem>>) attributes {dimension_semantics = [#tpu.dimension_semantics<arbitrary>], iteration_bounds = array<i64: 25>, scalar_prefetch = 0 : i64, scratch_operands = 4 : i64, tpu.core_type = #tpu.core_type<tc>, window_params = [{transform_indices = @transform_0, window_bounds = array<i64: 8, 1024, 128>}, {transform_indices = @transform_1, window_bounds = array<i64: 8, 1024, 128>}, {pipeline_mode = #tpu.pipeline_mode<synchronous>, transform_indices = @transform_2, window_bounds = array<i64: 256, 512>}, {pipeline_mode = #tpu.pipeline_mode<synchronous>, transform_indices = @transform_3, window_bounds = array<i64: 256, 512>}, {pipeline_mode = #tpu.pipeline_mode<synchronous>, transform_indices = @transform_4, window_bounds = array<i64: 128, 20>}, {pipeline_mode = #tpu.pipeline_mode<synchronous>, transform_indices = @transform_5, window_bounds = array<i64: 128, 20>}, {pipeline_mode = #tpu.pipeline_mode<synchronous>, transform_indices = @transform_6, window_bounds = array<i64: 1, 20>}, {transform_indices = @transform_7, window_bounds = array<i64: 8, 1024, 20>}, {transform_indices = @transform_8, window_bounds = array<i64: 8, 1024, 20>}]} {
    %eq3A = arith.constant 0 : i32
    %eq3A_0 = arith.cmpi eq, %arg0, %eq3A : i32
    %convert_element_type3A = arith.extui %eq3A_0 : i1 to i32
    %cond3A = arith.constant 0 : i32
    %cond3A_1 = arith.cmpi ne, %convert_element_type3A, %cond3A : i32
    scf.if %cond3A_1 {
      %broadcast_in_dim3A = arith.constant 0.000000e+00 : bf16
      %broadcast_in_dim3A_858 = vector.broadcast %broadcast_in_dim3A : bf16 to vector<1024x128xbf16>
      %swap3A_859 = arith.constant 0 : index
      %swap3A_860 = arith.constant 0 : index
      %swap3A_861 = vector.load %arg10[%swap3A_859, %swap3A_860] : memref<1024x128xbf16, #tpu.memory_space<vmem>>, vector<1024x128xbf16>
      tpu.vector_store %arg10[%swap3A_859, %swap3A_860], %broadcast_in_dim3A_858 {strides = array<i32>} : memref<1024x128xbf16, #tpu.memory_space<vmem>>, vector<1024x128xbf16>,
      %broadcast_in_dim3A_862 = arith.constant 0.000000e+00 : f32
      %broadcast_in_dim3A_863 = vector.broadcast %broadcast_in_dim3A_862 : f32 to vector<1024x128xf32>
      %swap3A_864 = arith.constant 0 : index
      %swap3A_865 = arith.constant 0 : index
      %swap3A_866 = vector.load %arg11[%swap3A_864, %swap3A_865] : memref<1024x128xf32, #tpu.memory_space<vmem>>, vector<1024x128xf32>
      tpu.vector_store %arg11[%swap3A_864, %swap3A_865], %broadcast_in_dim3A_863 {strides = array<i32>} : memref<1024x128xf32, #tpu.memory_space<vmem>>, vector<1024x128xf32>,
      %broadcast_in_dim3A_867 = arith.constant 0.000000e+00 : bf16
      %broadcast_in_dim3A_868 = vector.broadcast %broadcast_in_dim3A_867 : bf16 to vector<1024x128xbf16>
      %swap3A_869 = arith.constant 0 : index
      %swap3A_870 = arith.constant 0 : index
      %swap3A_871 = vector.load %arg12[%swap3A_869, %swap3A_870] : memref<1024x128xbf16, #tpu.memory_space<vmem>>, vector<1024x128xbf16>
      tpu.vector_store %arg12[%swap3A_869, %swap3A_870], %broadcast_in_dim3A_868 {strides = array<i32>} : memref<1024x128xbf16, #tpu.memory_space<vmem>>, vector<1024x128xbf16>,
      %broadcast_in_dim3A_872 = arith.constant 0.000000e+00 : f32
      %broadcast_in_dim3A_873 = vector.broadcast %broadcast_in_dim3A_872 : f32 to vector<1024x128xf32>
      %swap3A_874 = arith.constant 0 : index
      %swap3A_875 = arith.constant 0 : index
      %swap3A_876 = vector.load %arg13[%swap3A_874, %swap3A_875] : memref<1024x128xf32, #tpu.memory_space<vmem>>, vector<1024x128xf32>
      tpu.vector_store %arg13[%swap3A_874, %swap3A_875], %broadcast_in_dim3A_873 {strides = array<i32>} : memref<1024x128xf32, #tpu.memory_space<vmem>>, vector<1024x128xf32>,
    } else {
    }
    %get3A = arith.constant 0 : index
    %get3A_2 = arith.constant 0 : index
    %get3A_3 = vector.load %arg10[%get3A, %get3A_2] : memref<1024x128xbf16, #tpu.memory_space<vmem>>, vector<1024x128xbf16>
    %get3A_4 = arith.constant 0 : index
    %get3A_5 = arith.constant 0 : index
    %get3A_6 = vector.load %arg11[%get3A_4, %get3A_5] : memref<1024x128xf32, #tpu.memory_space<vmem>>, vector<1024x128xf32>
    %get3A_7 = arith.constant 0 : index
    %get3A_8 = arith.constant 0 : index
    %get3A_9 = vector.load %arg12[%get3A_7, %get3A_8] : memref<1024x128xbf16, #tpu.memory_space<vmem>>, vector<1024x128xbf16>
    %get3A_10 = arith.constant 0 : index
    %get3A_11 = arith.constant 0 : index
    %get3A_12 = vector.load %arg13[%get3A_10, %get3A_11] : memref<1024x128xf32, #tpu.memory_space<vmem>>, vector<1024x128xf32>
    %get3A_13 = arith.constant 0 : index
    %get3A_14 = arith.constant 0 : index
    %get3A_15 = arith.constant 0 : index
    %get3A_16 = vector.load %arg1[%get3A_13, %get3A_14, %get3A_15] : memref<8x1024x128xf32, #tpu.memory_space<vmem>>, vector<1x1024x128xf32>
    %get3A_17 = vector.shape_cast %get3A_16 : vector<1x1024x128xf32> to vector<1024x128xf32>
    %get3A_18 = arith.constant 0 : index
    %get3A_19 = arith.constant 0 : index
    %get3A_20 = vector.load %arg3[%get3A_18, %get3A_19] : memref<256x512xbf16, #tpu.memory_space<vmem>>, vector<256x512xbf16>
    %convert_element_type3A_21 = arith.truncf %get3A_17 : vector<1024x128xf32> to vector<1024x128xbf16>
    %concatenate3A = tpu.concatenate %convert_element_type3A_21, %get3A_3 in 1 : vector<1024x128xbf16>, vector<1024x128xbf16> -> vector<1024x256xbf16>
    %dot_general3A = arith.constant dense<0.000000e+00> : vector<1024x512xf32>
    %dot_general3A_22 = tpu.matmul %concatenate3A, %get3A_20, %dot_general3A {dimension_numbers = #tpu.dot_dimension_numbers<[1], [0], [0], [1], [0, 0, 1, 1], [], []>, transpose_lhs_hint = false} : vector<1024x256xbf16>, vector<256x512xbf16>, vector<1024x512xf32> -> vector<1024x512xf32>
    %slice3A = vector.extract_strided_slice %dot_general3A_22 {offsets = [0, 0], sizes = [1024, 128], strides = [1, 1]} : vector<1024x512xf32> to vector<1024x128xf32>
    %tanh3A = math.tanh %slice3A : vector<1024x128xf32>
    %slice3A_23 = vector.extract_strided_slice %dot_general3A_22 {offsets = [0, 128], sizes = [1024, 128], strides = [1, 1]} : vector<1024x512xf32> to vector<1024x128xf32>
    %tanh3A_24 = math.tanh %slice3A_23 : vector<1024x128xf32>
    %slice3A_25 = vector.extract_strided_slice %dot_general3A_22 {offsets = [0, 256], sizes = [1024, 128], strides = [1, 1]} : vector<1024x512xf32> to vector<1024x128xf32>
    %tanh3A_26 = math.tanh %slice3A_25 : vector<1024x128xf32>
    %slice3A_27 = vector.extract_strided_slice %dot_general3A_22 {offsets = [0, 384], sizes = [1024, 128], strides = [1, 1]} : vector<1024x512xf32> to vector<1024x128xf32>
    %tanh3A_28 = math.tanh %slice3A_27 : vector<1024x128xf32>
    %add3A = arith.constant 1.000000e+00 : f32
    %add3A_29 = vector.broadcast %add3A : f32 to vector<1024x128xf32>
    %add3A_30 = arith.addf %tanh3A_24, %add3A_29 : vector<1024x128xf32>
    %mul3A = arith.mulf %add3A_30, %get3A_6 : vector<1024x128xf32>
    %add3A_31 = arith.constant 1.000000e+00 : f32
    %add3A_32 = vector.broadcast %add3A_31 : f32 to vector<1024x128xf32>
    %add3A_33 = arith.addf %tanh3A, %add3A_32 : vector<1024x128xf32>
    %mul3A_34 = arith.mulf %add3A_33, %tanh3A_26 : vector<1024x128xf32>
    %add3A_35 = arith.addf %mul3A, %mul3A_34 : vector<1024x128xf32>
    %mul3A_36 = arith.constant 5.000000e-01 : f32
    %mul3A_37 = vector.broadcast %mul3A_36 : f32 to vector<1024x128xf32>
    %mul3A_38 = arith.mulf %mul3A_37, %add3A_35 : vector<1024x128xf32>
    %add3A_39 = arith.constant 1.000000e+00 : f32
    %add3A_40 = vector.broadcast %add3A_39 : f32 to vector<1024x128xf32>
    %add3A_41 = arith.addf %tanh3A_28, %add3A_40 : vector<1024x128xf32>
    %tanh3A_42 = math.tanh %mul3A_38 : vector<1024x128xf32>
    %mul3A_43 = arith.mulf %add3A_41, %tanh3A_42 : vector<1024x128xf32>
    %convert_element_type3A_44 = arith.truncf %mul3A_43 : vector<1024x128xf32> to vector<1024x128xbf16>
    %get3A_45 = arith.constant 0 : index
    %get3A_46 = arith.constant 0 : index
    %get3A_47 = vector.load %arg5[%get3A_45, %get3A_46] : memref<128x20xbf16, #tpu.memory_space<vmem>>, vector<128x20xbf16>
    %dot_general3A_48 = arith.constant dense<0.000000e+00> : vector<1024x20xf32>
    %dot_general3A_49 = tpu.matmul %convert_element_type3A_44, %get3A_47, %dot_general3A_48 {dimension_numbers = #tpu.dot_dimension_numbers<[1], [0], [0], [1], [0, 0, 1, 1], [], []>, transpose_lhs_hint = false} : vector<1024x128xbf16>, vector<128x20xbf16>, vector<1024x20xf32> -> vector<1024x20xf32>
    %get3A_50 = arith.constant 0 : index
    %get3A_51 = arith.constant 0 : index
    %get3A_52 = vector.load %arg7[%get3A_50, %get3A_51] : memref<1x20xf32, #tpu.memory_space<vmem>>, vector<1x20xf32>
    %add3A_53 = vector.broadcast %get3A_52 : vector<1x20xf32> to vector<1024x20xf32>
    %add3A_54 = arith.addf %dot_general3A_49, %add3A_53 : vector<1024x20xf32>
    %convert_element_type3A_55 = arith.truncf %add3A_54 : vector<1024x20xf32> to vector<1024x20xbf16>
    %swap3A = arith.constant 0 : index
    %swap3A_56 = arith.constant 0 : index
    %swap3A_57 = arith.constant 0 : index
    %swap3A_58 = vector.load %arg8[%swap3A, %swap3A_56, %swap3A_57] : memref<8x1024x20xbf16, #tpu.memory_space<vmem>>, vector<1x1024x20xbf16>
    %swap3A_59 = vector.shape_cast %swap3A_58 : vector<1x1024x20xbf16> to vector<1024x20xbf16>
    %swap3A_60 = vector.shape_cast %convert_element_type3A_55 : vector<1024x20xbf16> to vector<1x1024x20xbf16>
    tpu.vector_store %arg8[%swap3A, %swap3A_56, %swap3A_57], %swap3A_60 {strides = array<i32>} : memref<8x1024x20xbf16, #tpu.memory_space<vmem>>, vector<1x1024x20xbf16>,
    %get3A_61 = arith.constant 7 : index
    %get3A_62 = arith.constant 0 : index
    %get3A_63 = arith.constant 0 : index
    %get3A_64 = vector.load %arg2[%get3A_61, %get3A_62, %get3A_63] : memref<8x1024x128xf32, #tpu.memory_space<vmem>>, vector<1x1024x128xf32>
    %get3A_65 = vector.shape_cast %get3A_64 : vector<1x1024x128xf32> to vector<1024x128xf32>
    %get3A_66 = arith.constant 0 : index
    %get3A_67 = arith.constant 0 : index
    %get3A_68 = vector.load %arg4[%get3A_66, %get3A_67] : memref<256x512xbf16, #tpu.memory_space<vmem>>, vector<256x512xbf16>
    %convert_element_type3A_69 = arith.truncf %get3A_65 : vector<1024x128xf32> to vector<1024x128xbf16>
    %concatenate3A_70 = tpu.concatenate %convert_element_type3A_69, %get3A_9 in 1 : vector<1024x128xbf16>, vector<1024x128xbf16> -> vector<1024x256xbf16>
    %dot_general3A_71 = arith.constant dense<0.000000e+00> : vector<1024x512xf32>
    %dot_general3A_72 = tpu.matmul %concatenate3A_70, %get3A_68, %dot_general3A_71 {dimension_numbers = #tpu.dot_dimension_numbers<[1], [0], [0], [1], [0, 0, 1, 1], [], []>, transpose_lhs_hint = false} : vector<1024x256xbf16>, vector<256x512xbf16>, vector<1024x512xf32> -> vector<1024x512xf32>
    %slice3A_73 = vector.extract_strided_slice %dot_general3A_72 {offsets = [0, 0], sizes = [1024, 128], strides = [1, 1]} : vector<1024x512xf32> to vector<1024x128xf32>
    %tanh3A_74 = math.tanh %slice3A_73 : vector<1024x128xf32>
    %slice3A_75 = vector.extract_strided_slice %dot_general3A_72 {offsets = [0, 128], sizes = [1024, 128], strides = [1, 1]} : vector<1024x512xf32> to vector<1024x128xf32>
    %tanh3A_76 = math.tanh %slice3A_75 : vector<1024x128xf32>
    %slice3A_77 = vector.extract_strided_slice %dot_general3A_72 {offsets = [0, 256], sizes = [1024, 128], strides = [1, 1]} : vector<1024x512xf32> to vector<1024x128xf32>
    %tanh3A_78 = math.tanh %slice3A_77 : vector<1024x128xf32>
    %slice3A_79 = vector.extract_strided_slice %dot_general3A_72 {offsets = [0, 384], sizes = [1024, 128], strides = [1, 1]} : vector<1024x512xf32> to vector<1024x128xf32>
    %tanh3A_80 = math.tanh %slice3A_79 : vector<1024x128xf32>
    %add3A_81 = arith.constant 1.000000e+00 : f32
    %add3A_82 = vector.broadcast %add3A_81 : f32 to vector<1024x128xf32>
    %add3A_83 = arith.addf %tanh3A_76, %add3A_82 : vector<1024x128xf32>
    %mul3A_84 = arith.mulf %add3A_83, %get3A_12 : vector<1024x128xf32>
    %add3A_85 = arith.constant 1.000000e+00 : f32
    %add3A_86 = vector.broadcast %add3A_85 : f32 to vector<1024x128xf32>
    %add3A_87 = arith.addf %tanh3A_74, %add3A_86 : vector<1024x128xf32>
    %mul3A_88 = arith.mulf %add3A_87, %tanh3A_78 : vector<1024x128xf32>
    %add3A_89 = arith.addf %mul3A_84, %mul3A_88 : vector<1024x128xf32>
    %mul3A_90 = arith.constant 5.000000e-01 : f32
    %mul3A_91 = vector.broadcast %mul3A_90 : f32 to vector<1024x128xf32>
    %mul3A_92 = arith.mulf %mul3A_91, %add3A_89 : vector<1024x128xf32>
    %add3A_93 = arith.constant 1.000000e+00 : f32
    %add3A_94 = vector.broadcast %add3A_93 : f32 to vector<1024x128xf32>
    %add3A_95 = arith.addf %tanh3A_80, %add3A_94 : vector<1024x128xf32>
    %tanh3A_96 = math.tanh %mul3A_92 : vector<1024x128xf32>
    %mul3A_97 = arith.mulf %add3A_95, %tanh3A_96 : vector<1024x128xf32>
    %convert_element_type3A_98 = arith.truncf %mul3A_97 : vector<1024x128xf32> to vector<1024x128xbf16>
    %get3A_99 = arith.constant 0 : index
    %get3A_100 = arith.constant 0 : index
    %get3A_101 = vector.load %arg6[%get3A_99, %get3A_100] : memref<128x20xbf16, #tpu.memory_space<vmem>>, vector<128x20xbf16>
    %dot_general3A_102 = arith.constant dense<0.000000e+00> : vector<1024x20xf32>
    %dot_general3A_103 = tpu.matmul %convert_element_type3A_98, %get3A_101, %dot_general3A_102 {dimension_numbers = #tpu.dot_dimension_numbers<[1], [0], [0], [1], [0, 0, 1, 1], [], []>, transpose_lhs_hint = false} : vector<1024x128xbf16>, vector<128x20xbf16>, vector<1024x20xf32> -> vector<1024x20xf32>
    %convert_element_type3A_104 = arith.truncf %dot_general3A_103 : vector<1024x20xf32> to vector<1024x20xbf16>
    %swap3A_105 = arith.constant 7 : index
    %swap3A_106 = arith.constant 0 : index
    %swap3A_107 = arith.constant 0 : index
    %swap3A_108 = vector.load %arg9[%swap3A_105, %swap3A_106, %swap3A_107] : memref<8x1024x20xbf16, #tpu.memory_space<vmem>>, vector<1x1024x20xbf16>
    %swap3A_109 = vector.shape_cast %swap3A_108 : vector<1x1024x20xbf16> to vector<1024x20xbf16>
    %swap3A_110 = vector.shape_cast %convert_element_type3A_104 : vector<1024x20xbf16> to vector<1x1024x20xbf16>
    tpu.vector_store %arg9[%swap3A_105, %swap3A_106, %swap3A_107], %swap3A_110 {strides = array<i32>} : memref<8x1024x20xbf16, #tpu.memory_space<vmem>>, vector<1x1024x20xbf16>,
    %get3A_111 = arith.constant 1 : index
    %get3A_112 = arith.constant 0 : index
    %get3A_113 = arith.constant 0 : index
    %get3A_114 = vector.load %arg1[%get3A_111, %get3A_112, %get3A_113] : memref<8x1024x128xf32, #tpu.memory_space<vmem>>, vector<1x1024x128xf32>
    %get3A_115 = vector.shape_cast %get3A_114 : vector<1x1024x128xf32> to vector<1024x128xf32>
    %get3A_116 = arith.constant 0 : index
    %get3A_117 = arith.constant 0 : index
    %get3A_118 = vector.load %arg3[%get3A_116, %get3A_117] : memref<256x512xbf16, #tpu.memory_space<vmem>>, vector<256x512xbf16>
    %convert_element_type3A_119 = arith.truncf %get3A_115 : vector<1024x128xf32> to vector<1024x128xbf16>
    %concatenate3A_120 = tpu.concatenate %convert_element_type3A_119, %convert_element_type3A_44 in 1 : vector<1024x128xbf16>, vector<1024x128xbf16> -> vector<1024x256xbf16>
    %dot_general3A_121 = arith.constant dense<0.000000e+00> : vector<1024x512xf32>
    %dot_general3A_122 = tpu.matmul %concatenate3A_120, %get3A_118, %dot_general3A_121 {dimension_numbers = #tpu.dot_dimension_numbers<[1], [0], [0], [1], [0, 0, 1, 1], [], []>, transpose_lhs_hint = false} : vector<1024x256xbf16>, vector<256x512xbf16>, vector<1024x512xf32> -> vector<1024x512xf32>
    %slice3A_123 = vector.extract_strided_slice %dot_general3A_122 {offsets = [0, 0], sizes = [1024, 128], strides = [1, 1]} : vector<1024x512xf32> to vector<1024x128xf32>
    %tanh3A_124 = math.tanh %slice3A_123 : vector<1024x128xf32>
    %slice3A_125 = vector.extract_strided_slice %dot_general3A_122 {offsets = [0, 128], sizes = [1024, 128], strides = [1, 1]} : vector<1024x512xf32> to vector<1024x128xf32>
    %tanh3A_126 = math.tanh %slice3A_125 : vector<1024x128xf32>
    %slice3A_127 = vector.extract_strided_slice %dot_general3A_122 {offsets = [0, 256], sizes = [1024, 128], strides = [1, 1]} : vector<1024x512xf32> to vector<1024x128xf32>
    %tanh3A_128 = math.tanh %slice3A_127 : vector<1024x128xf32>
    %slice3A_129 = vector.extract_strided_slice %dot_general3A_122 {offsets = [0, 384], sizes = [1024, 128], strides = [1, 1]} : vector<1024x512xf32> to vector<1024x128xf32>
    %tanh3A_130 = math.tanh %slice3A_129 : vector<1024x128xf32>
    %add3A_131 = arith.constant 1.000000e+00 : f32
    %add3A_132 = vector.broadcast %add3A_131 : f32 to vector<1024x128xf32>
    %add3A_133 = arith.addf %tanh3A_126, %add3A_132 : vector<1024x128xf32>
    %mul3A_134 = arith.mulf %add3A_133, %mul3A_38 : vector<1024x128xf32>
    %add3A_135 = arith.constant 1.000000e+00 : f32
    %add3A_136 = vector.broadcast %add3A_135 : f32 to vector<1024x128xf32>
    %add3A_137 = arith.addf %tanh3A_124, %add3A_136 : vector<1024x128xf32>
    %mul3A_138 = arith.mulf %add3A_137, %tanh3A_128 : vector<1024x128xf32>
    %add3A_139 = arith.addf %mul3A_134, %mul3A_138 : vector<1024x128xf32>
    %mul3A_140 = arith.constant 5.000000e-01 : f32
    %mul3A_141 = vector.broadcast %mul3A_140 : f32 to vector<1024x128xf32>
    %mul3A_142 = arith.mulf %mul3A_141, %add3A_139 : vector<1024x128xf32>
    %add3A_143 = arith.constant 1.000000e+00 : f32
    %add3A_144 = vector.broadcast %add3A_143 : f32 to vector<1024x128xf32>
    %add3A_145 = arith.addf %tanh3A_130, %add3A_144 : vector<1024x128xf32>
    %tanh3A_146 = math.tanh %mul3A_142 : vector<1024x128xf32>
    %mul3A_147 = arith.mulf %add3A_145, %tanh3A_146 : vector<1024x128xf32>
    %convert_element_type3A_148 = arith.truncf %mul3A_147 : vector<1024x128xf32> to vector<1024x128xbf16>
    %get3A_149 = arith.constant 0 : index
    %get3A_150 = arith.constant 0 : index
    %get3A_151 = vector.load %arg5[%get3A_149, %get3A_150] : memref<128x20xbf16, #tpu.memory_space<vmem>>, vector<128x20xbf16>
    %dot_general3A_152 = arith.constant dense<0.000000e+00> : vector<1024x20xf32>
    %dot_general3A_153 = tpu.matmul %convert_element_type3A_148, %get3A_151, %dot_general3A_152 {dimension_numbers = #tpu.dot_dimension_numbers<[1], [0], [0], [1], [0, 0, 1, 1], [], []>, transpose_lhs_hint = false} : vector<1024x128xbf16>, vector<128x20xbf16>, vector<1024x20xf32> -> vector<1024x20xf32>
    %get3A_154 = arith.constant 0 : index
    %get3A_155 = arith.constant 0 : index
    %get3A_156 = vector.load %arg7[%get3A_154, %get3A_155] : memref<1x20xf32, #tpu.memory_space<vmem>>, vector<1x20xf32>
    %add3A_157 = vector.broadcast %get3A_156 : vector<1x20xf32> to vector<1024x20xf32>
    %add3A_158 = arith.addf %dot_general3A_153, %add3A_157 : vector<1024x20xf32>
    %convert_element_type3A_159 = arith.truncf %add3A_158 : vector<1024x20xf32> to vector<1024x20xbf16>
    %swap3A_160 = arith.constant 1 : index
    %swap3A_161 = arith.constant 0 : index
    %swap3A_162 = arith.constant 0 : index
    %swap3A_163 = vector.load %arg8[%swap3A_160, %swap3A_161, %swap3A_162] : memref<8x1024x20xbf16, #tpu.memory_space<vmem>>, vector<1x1024x20xbf16>
    %swap3A_164 = vector.shape_cast %swap3A_163 : vector<1x1024x20xbf16> to vector<1024x20xbf16>
    %swap3A_165 = vector.shape_cast %convert_element_type3A_159 : vector<1024x20xbf16> to vector<1x1024x20xbf16>
    tpu.vector_store %arg8[%swap3A_160, %swap3A_161, %swap3A_162], %swap3A_165 {strides = array<i32>} : memref<8x1024x20xbf16, #tpu.memory_space<vmem>>, vector<1x1024x20xbf16>,
    %get3A_166 = arith.constant 6 : index
    %get3A_167 = arith.constant 0 : index
    %get3A_168 = arith.constant 0 : index
    %get3A_169 = vector.load %arg2[%get3A_166, %get3A_167, %get3A_168] : memref<8x1024x128xf32, #tpu.memory_space<vmem>>, vector<1x1024x128xf32>
    %get3A_170 = vector.shape_cast %get3A_169 : vector<1x1024x128xf32> to vector<1024x128xf32>
    %get3A_171 = arith.constant 0 : index
    %get3A_172 = arith.constant 0 : index
    %get3A_173 = vector.load %arg4[%get3A_171, %get3A_172] : memref<256x512xbf16, #tpu.memory_space<vmem>>, vector<256x512xbf16>
    %convert_element_type3A_174 = arith.truncf %get3A_170 : vector<1024x128xf32> to vector<1024x128xbf16>
    %concatenate3A_175 = tpu.concatenate %convert_element_type3A_174, %convert_element_type3A_98 in 1 : vector<1024x128xbf16>, vector<1024x128xbf16> -> vector<1024x256xbf16>
    %dot_general3A_176 = arith.constant dense<0.000000e+00> : vector<1024x512xf32>
    %dot_general3A_177 = tpu.matmul %concatenate3A_175, %get3A_173, %dot_general3A_176 {dimension_numbers = #tpu.dot_dimension_numbers<[1], [0], [0], [1], [0, 0, 1, 1], [], []>, transpose_lhs_hint = false} : vector<1024x256xbf16>, vector<256x512xbf16>, vector<1024x512xf32> -> vector<1024x512xf32>
    %slice3A_178 = vector.extract_strided_slice %dot_general3A_177 {offsets = [0, 0], sizes = [1024, 128], strides = [1, 1]} : vector<1024x512xf32> to vector<1024x128xf32>
    %tanh3A_179 = math.tanh %slice3A_178 : vector<1024x128xf32>
    %slice3A_180 = vector.extract_strided_slice %dot_general3A_177 {offsets = [0, 128], sizes = [1024, 128], strides = [1, 1]} : vector<1024x512xf32> to vector<1024x128xf32>
    %tanh3A_181 = math.tanh %slice3A_180 : vector<1024x128xf32>
    %slice3A_182 = vector.extract_strided_slice %dot_general3A_177 {offsets = [0, 256], sizes = [1024, 128], strides = [1, 1]} : vector<1024x512xf32> to vector<1024x128xf32>
    %tanh3A_183 = math.tanh %slice3A_182 : vector<1024x128xf32>
    %slice3A_184 = vector.extract_strided_slice %dot_general3A_177 {offsets = [0, 384], sizes = [1024, 128], strides = [1, 1]} : vector<1024x512xf32> to vector<1024x128xf32>
    %tanh3A_185 = math.tanh %slice3A_184 : vector<1024x128xf32>
    %add3A_186 = arith.constant 1.000000e+00 : f32
    %add3A_187 = vector.broadcast %add3A_186 : f32 to vector<1024x128xf32>
    %add3A_188 = arith.addf %tanh3A_181, %add3A_187 : vector<1024x128xf32>
    %mul3A_189 = arith.mulf %add3A_188, %mul3A_92 : vector<1024x128xf32>
    %add3A_190 = arith.constant 1.000000e+00 : f32
    %add3A_191 = vector.broadcast %add3A_190 : f32 to vector<1024x128xf32>
    %add3A_192 = arith.addf %tanh3A_179, %add3A_191 : vector<1024x128xf32>
    %mul3A_193 = arith.mulf %add3A_192, %tanh3A_183 : vector<1024x128xf32>
    %add3A_194 = arith.addf %mul3A_189, %mul3A_193 : vector<1024x128xf32>
    %mul3A_195 = arith.constant 5.000000e-01 : f32
    %mul3A_196 = vector.broadcast %mul3A_195 : f32 to vector<1024x128xf32>
    %mul3A_197 = arith.mulf %mul3A_196, %add3A_194 : vector<1024x128xf32>
    %add3A_198 = arith.constant 1.000000e+00 : f32
    %add3A_199 = vector.broadcast %add3A_198 : f32 to vector<1024x128xf32>
    %add3A_200 = arith.addf %tanh3A_185, %add3A_199 : vector<1024x128xf32>
    %tanh3A_201 = math.tanh %mul3A_197 : vector<1024x128xf32>
    %mul3A_202 = arith.mulf %add3A_200, %tanh3A_201 : vector<1024x128xf32>
    %convert_element_type3A_203 = arith.truncf %mul3A_202 : vector<1024x128xf32> to vector<1024x128xbf16>
    %get3A_204 = arith.constant 0 : index
    %get3A_205 = arith.constant 0 : index
    %get3A_206 = vector.load %arg6[%get3A_204, %get3A_205] : memref<128x20xbf16, #tpu.memory_space<vmem>>, vector<128x20xbf16>
    %dot_general3A_207 = arith.constant dense<0.000000e+00> : vector<1024x20xf32>
    %dot_general3A_208 = tpu.matmul %convert_element_type3A_203, %get3A_206, %dot_general3A_207 {dimension_numbers = #tpu.dot_dimension_numbers<[1], [0], [0], [1], [0, 0, 1, 1], [], []>, transpose_lhs_hint = false} : vector<1024x128xbf16>, vector<128x20xbf16>, vector<1024x20xf32> -> vector<1024x20xf32>
    %convert_element_type3A_209 = arith.truncf %dot_general3A_208 : vector<1024x20xf32> to vector<1024x20xbf16>
    %swap3A_210 = arith.constant 6 : index
    %swap3A_211 = arith.constant 0 : index
    %swap3A_212 = arith.constant 0 : index
    %swap3A_213 = vector.load %arg9[%swap3A_210, %swap3A_211, %swap3A_212] : memref<8x1024x20xbf16, #tpu.memory_space<vmem>>, vector<1x1024x20xbf16>
    %swap3A_214 = vector.shape_cast %swap3A_213 : vector<1x1024x20xbf16> to vector<1024x20xbf16>
    %swap3A_215 = vector.shape_cast %convert_element_type3A_209 : vector<1024x20xbf16> to vector<1x1024x20xbf16>
    tpu.vector_store %arg9[%swap3A_210, %swap3A_211, %swap3A_212], %swap3A_215 {strides = array<i32>} : memref<8x1024x20xbf16, #tpu.memory_space<vmem>>, vector<1x1024x20xbf16>,
    %get3A_216 = arith.constant 2 : index
    %get3A_217 = arith.constant 0 : index
    %get3A_218 = arith.constant 0 : index
    %get3A_219 = vector.load %arg1[%get3A_216, %get3A_217, %get3A_218] : memref<8x1024x128xf32, #tpu.memory_space<vmem>>, vector<1x1024x128xf32>
    %get3A_220 = vector.shape_cast %get3A_219 : vector<1x1024x128xf32> to vector<1024x128xf32>
    %get3A_221 = arith.constant 0 : index
    %get3A_222 = arith.constant 0 : index
    %get3A_223 = vector.load %arg3[%get3A_221, %get3A_222] : memref<256x512xbf16, #tpu.memory_space<vmem>>, vector<256x512xbf16>
    %convert_element_type3A_224 = arith.truncf %get3A_220 : vector<1024x128xf32> to vector<1024x128xbf16>
    %concatenate3A_225 = tpu.concatenate %convert_element_type3A_224, %convert_element_type3A_148 in 1 : vector<1024x128xbf16>, vector<1024x128xbf16> -> vector<1024x256xbf16>
    %dot_general3A_226 = arith.constant dense<0.000000e+00> : vector<1024x512xf32>
    %dot_general3A_227 = tpu.matmul %concatenate3A_225, %get3A_223, %dot_general3A_226 {dimension_numbers = #tpu.dot_dimension_numbers<[1], [0], [0], [1], [0, 0, 1, 1], [], []>, transpose_lhs_hint = false} : vector<1024x256xbf16>, vector<256x512xbf16>, vector<1024x512xf32> -> vector<1024x512xf32>
    %slice3A_228 = vector.extract_strided_slice %dot_general3A_227 {offsets = [0, 0], sizes = [1024, 128], strides = [1, 1]} : vector<1024x512xf32> to vector<1024x128xf32>
    %tanh3A_229 = math.tanh %slice3A_228 : vector<1024x128xf32>
    %slice3A_230 = vector.extract_strided_slice %dot_general3A_227 {offsets = [0, 128], sizes = [1024, 128], strides = [1, 1]} : vector<1024x512xf32> to vector<1024x128xf32>
    %tanh3A_231 = math.tanh %slice3A_230 : vector<1024x128xf32>
    %slice3A_232 = vector.extract_strided_slice %dot_general3A_227 {offsets = [0, 256], sizes = [1024, 128], strides = [1, 1]} : vector<1024x512xf32> to vector<1024x128xf32>
    %tanh3A_233 = math.tanh %slice3A_232 : vector<1024x128xf32>
    %slice3A_234 = vector.extract_strided_slice %dot_general3A_227 {offsets = [0, 384], sizes = [1024, 128], strides = [1, 1]} : vector<1024x512xf32> to vector<1024x128xf32>
    %tanh3A_235 = math.tanh %slice3A_234 : vector<1024x128xf32>
    %add3A_236 = arith.constant 1.000000e+00 : f32
    %add3A_237 = vector.broadcast %add3A_236 : f32 to vector<1024x128xf32>
    %add3A_238 = arith.addf %tanh3A_231, %add3A_237 : vector<1024x128xf32>
    %mul3A_239 = arith.mulf %add3A_238, %mul3A_142 : vector<1024x128xf32>
    %add3A_240 = arith.constant 1.000000e+00 : f32
    %add3A_241 = vector.broadcast %add3A_240 : f32 to vector<1024x128xf32>
    %add3A_242 = arith.addf %tanh3A_229, %add3A_241 : vector<1024x128xf32>
    %mul3A_243 = arith.mulf %add3A_242, %tanh3A_233 : vector<1024x128xf32>
    %add3A_244 = arith.addf %mul3A_239, %mul3A_243 : vector<1024x128xf32>
    %mul3A_245 = arith.constant 5.000000e-01 : f32
    %mul3A_246 = vector.broadcast %mul3A_245 : f32 to vector<1024x128xf32>
    %mul3A_247 = arith.mulf %mul3A_246, %add3A_244 : vector<1024x128xf32>
    %add3A_248 = arith.constant 1.000000e+00 : f32
    %add3A_249 = vector.broadcast %add3A_248 : f32 to vector<1024x128xf32>
    %add3A_250 = arith.addf %tanh3A_235, %add3A_249 : vector<1024x128xf32>
    %tanh3A_251 = math.tanh %mul3A_247 : vector<1024x128xf32>
    %mul3A_252 = arith.mulf %add3A_250, %tanh3A_251 : vector<1024x128xf32>
    %convert_element_type3A_253 = arith.truncf %mul3A_252 : vector<1024x128xf32> to vector<1024x128xbf16>
    %get3A_254 = arith.constant 0 : index
    %get3A_255 = arith.constant 0 : index
    %get3A_256 = vector.load %arg5[%get3A_254, %get3A_255] : memref<128x20xbf16, #tpu.memory_space<vmem>>, vector<128x20xbf16>
    %dot_general3A_257 = arith.constant dense<0.000000e+00> : vector<1024x20xf32>
    %dot_general3A_258 = tpu.matmul %convert_element_type3A_253, %get3A_256, %dot_general3A_257 {dimension_numbers = #tpu.dot_dimension_numbers<[1], [0], [0], [1], [0, 0, 1, 1], [], []>, transpose_lhs_hint = false} : vector<1024x128xbf16>, vector<128x20xbf16>, vector<1024x20xf32> -> vector<1024x20xf32>
    %get3A_259 = arith.constant 0 : index
    %get3A_260 = arith.constant 0 : index
    %get3A_261 = vector.load %arg7[%get3A_259, %get3A_260] : memref<1x20xf32, #tpu.memory_space<vmem>>, vector<1x20xf32>
    %add3A_262 = vector.broadcast %get3A_261 : vector<1x20xf32> to vector<1024x20xf32>
    %add3A_263 = arith.addf %dot_general3A_258, %add3A_262 : vector<1024x20xf32>
    %convert_element_type3A_264 = arith.truncf %add3A_263 : vector<1024x20xf32> to vector<1024x20xbf16>
    %swap3A_265 = arith.constant 2 : index
    %swap3A_266 = arith.constant 0 : index
    %swap3A_267 = arith.constant 0 : index
    %swap3A_268 = vector.load %arg8[%swap3A_265, %swap3A_266, %swap3A_267] : memref<8x1024x20xbf16, #tpu.memory_space<vmem>>, vector<1x1024x20xbf16>
    %swap3A_269 = vector.shape_cast %swap3A_268 : vector<1x1024x20xbf16> to vector<1024x20xbf16>
    %swap3A_270 = vector.shape_cast %convert_element_type3A_264 : vector<1024x20xbf16> to vector<1x1024x20xbf16>
    tpu.vector_store %arg8[%swap3A_265, %swap3A_266, %swap3A_267], %swap3A_270 {strides = array<i32>} : memref<8x1024x20xbf16, #tpu.memory_space<vmem>>, vector<1x1024x20xbf16>,
    %get3A_271 = arith.constant 5 : index
    %get3A_272 = arith.constant 0 : index
    %get3A_273 = arith.constant 0 : index
    %get3A_274 = vector.load %arg2[%get3A_271, %get3A_272, %get3A_273] : memref<8x1024x128xf32, #tpu.memory_space<vmem>>, vector<1x1024x128xf32>
    %get3A_275 = vector.shape_cast %get3A_274 : vector<1x1024x128xf32> to vector<1024x128xf32>
    %get3A_276 = arith.constant 0 : index
    %get3A_277 = arith.constant 0 : index
    %get3A_278 = vector.load %arg4[%get3A_276, %get3A_277] : memref<256x512xbf16, #tpu.memory_space<vmem>>, vector<256x512xbf16>
    %convert_element_type3A_279 = arith.truncf %get3A_275 : vector<1024x128xf32> to vector<1024x128xbf16>
    %concatenate3A_280 = tpu.concatenate %convert_element_type3A_279, %convert_element_type3A_203 in 1 : vector<1024x128xbf16>, vector<1024x128xbf16> -> vector<1024x256xbf16>
    %dot_general3A_281 = arith.constant dense<0.000000e+00> : vector<1024x512xf32>
    %dot_general3A_282 = tpu.matmul %concatenate3A_280, %get3A_278, %dot_general3A_281 {dimension_numbers = #tpu.dot_dimension_numbers<[1], [0], [0], [1], [0, 0, 1, 1], [], []>, transpose_lhs_hint = false} : vector<1024x256xbf16>, vector<256x512xbf16>, vector<1024x512xf32> -> vector<1024x512xf32>
    %slice3A_283 = vector.extract_strided_slice %dot_general3A_282 {offsets = [0, 0], sizes = [1024, 128], strides = [1, 1]} : vector<1024x512xf32> to vector<1024x128xf32>
    %tanh3A_284 = math.tanh %slice3A_283 : vector<1024x128xf32>
    %slice3A_285 = vector.extract_strided_slice %dot_general3A_282 {offsets = [0, 128], sizes = [1024, 128], strides = [1, 1]} : vector<1024x512xf32> to vector<1024x128xf32>
    %tanh3A_286 = math.tanh %slice3A_285 : vector<1024x128xf32>
    %slice3A_287 = vector.extract_strided_slice %dot_general3A_282 {offsets = [0, 256], sizes = [1024, 128], strides = [1, 1]} : vector<1024x512xf32> to vector<1024x128xf32>
    %tanh3A_288 = math.tanh %slice3A_287 : vector<1024x128xf32>
    %slice3A_289 = vector.extract_strided_slice %dot_general3A_282 {offsets = [0, 384], sizes = [1024, 128], strides = [1, 1]} : vector<1024x512xf32> to vector<1024x128xf32>
    %tanh3A_290 = math.tanh %slice3A_289 : vector<1024x128xf32>
    %add3A_291 = arith.constant 1.000000e+00 : f32
    %add3A_292 = vector.broadcast %add3A_291 : f32 to vector<1024x128xf32>
    %add3A_293 = arith.addf %tanh3A_286, %add3A_292 : vector<1024x128xf32>
    %mul3A_294 = arith.mulf %add3A_293, %mul3A_197 : vector<1024x128xf32>
    %add3A_295 = arith.constant 1.000000e+00 : f32
    %add3A_296 = vector.broadcast %add3A_295 : f32 to vector<1024x128xf32>
    %add3A_297 = arith.addf %tanh3A_284, %add3A_296 : vector<1024x128xf32>
    %mul3A_298 = arith.mulf %add3A_297, %tanh3A_288 : vector<1024x128xf32>
    %add3A_299 = arith.addf %mul3A_294, %mul3A_298 : vector<1024x128xf32>
    %mul3A_300 = arith.constant 5.000000e-01 : f32
    %mul3A_301 = vector.broadcast %mul3A_300 : f32 to vector<1024x128xf32>
    %mul3A_302 = arith.mulf %mul3A_301, %add3A_299 : vector<1024x128xf32>
    %add3A_303 = arith.constant 1.000000e+00 : f32
    %add3A_304 = vector.broadcast %add3A_303 : f32 to vector<1024x128xf32>
    %add3A_305 = arith.addf %tanh3A_290, %add3A_304 : vector<1024x128xf32>
    %tanh3A_306 = math.tanh %mul3A_302 : vector<1024x128xf32>
    %mul3A_307 = arith.mulf %add3A_305, %tanh3A_306 : vector<1024x128xf32>
    %convert_element_type3A_308 = arith.truncf %mul3A_307 : vector<1024x128xf32> to vector<1024x128xbf16>
    %get3A_309 = arith.constant 0 : index
    %get3A_310 = arith.constant 0 : index
    %get3A_311 = vector.load %arg6[%get3A_309, %get3A_310] : memref<128x20xbf16, #tpu.memory_space<vmem>>, vector<128x20xbf16>
    %dot_general3A_312 = arith.constant dense<0.000000e+00> : vector<1024x20xf32>
    %dot_general3A_313 = tpu.matmul %convert_element_type3A_308, %get3A_311, %dot_general3A_312 {dimension_numbers = #tpu.dot_dimension_numbers<[1], [0], [0], [1], [0, 0, 1, 1], [], []>, transpose_lhs_hint = false} : vector<1024x128xbf16>, vector<128x20xbf16>, vector<1024x20xf32> -> vector<1024x20xf32>
    %convert_element_type3A_314 = arith.truncf %dot_general3A_313 : vector<1024x20xf32> to vector<1024x20xbf16>
    %swap3A_315 = arith.constant 5 : index
    %swap3A_316 = arith.constant 0 : index
    %swap3A_317 = arith.constant 0 : index
    %swap3A_318 = vector.load %arg9[%swap3A_315, %swap3A_316, %swap3A_317] : memref<8x1024x20xbf16, #tpu.memory_space<vmem>>, vector<1x1024x20xbf16>
    %swap3A_319 = vector.shape_cast %swap3A_318 : vector<1x1024x20xbf16> to vector<1024x20xbf16>
    %swap3A_320 = vector.shape_cast %convert_element_type3A_314 : vector<1024x20xbf16> to vector<1x1024x20xbf16>
    tpu.vector_store %arg9[%swap3A_315, %swap3A_316, %swap3A_317], %swap3A_320 {strides = array<i32>} : memref<8x1024x20xbf16, #tpu.memory_space<vmem>>, vector<1x1024x20xbf16>,
    %get3A_321 = arith.constant 3 : index
    %get3A_322 = arith.constant 0 : index
    %get3A_323 = arith.constant 0 : index
    %get3A_324 = vector.load %arg1[%get3A_321, %get3A_322, %get3A_323] : memref<8x1024x128xf32, #tpu.memory_space<vmem>>, vector<1x1024x128xf32>
    %get3A_325 = vector.shape_cast %get3A_324 : vector<1x1024x128xf32> to vector<1024x128xf32>
    %get3A_326 = arith.constant 0 : index
    %get3A_327 = arith.constant 0 : index
    %get3A_328 = vector.load %arg3[%get3A_326, %get3A_327] : memref<256x512xbf16, #tpu.memory_space<vmem>>, vector<256x512xbf16>
    %convert_element_type3A_329 = arith.truncf %get3A_325 : vector<1024x128xf32> to vector<1024x128xbf16>
    %concatenate3A_330 = tpu.concatenate %convert_element_type3A_329, %convert_element_type3A_253 in 1 : vector<1024x128xbf16>, vector<1024x128xbf16> -> vector<1024x256xbf16>
    %dot_general3A_331 = arith.constant dense<0.000000e+00> : vector<1024x512xf32>
    %dot_general3A_332 = tpu.matmul %concatenate3A_330, %get3A_328, %dot_general3A_331 {dimension_numbers = #tpu.dot_dimension_numbers<[1], [0], [0], [1], [0, 0, 1, 1], [], []>, transpose_lhs_hint = false} : vector<1024x256xbf16>, vector<256x512xbf16>, vector<1024x512xf32> -> vector<1024x512xf32>
    %slice3A_333 = vector.extract_strided_slice %dot_general3A_332 {offsets = [0, 0], sizes = [1024, 128], strides = [1, 1]} : vector<1024x512xf32> to vector<1024x128xf32>
    %tanh3A_334 = math.tanh %slice3A_333 : vector<1024x128xf32>
    %slice3A_335 = vector.extract_strided_slice %dot_general3A_332 {offsets = [0, 128], sizes = [1024, 128], strides = [1, 1]} : vector<1024x512xf32> to vector<1024x128xf32>
    %tanh3A_336 = math.tanh %slice3A_335 : vector<1024x128xf32>
    %slice3A_337 = vector.extract_strided_slice %dot_general3A_332 {offsets = [0, 256], sizes = [1024, 128], strides = [1, 1]} : vector<1024x512xf32> to vector<1024x128xf32>
    %tanh3A_338 = math.tanh %slice3A_337 : vector<1024x128xf32>
    %slice3A_339 = vector.extract_strided_slice %dot_general3A_332 {offsets = [0, 384], sizes = [1024, 128], strides = [1, 1]} : vector<1024x512xf32> to vector<1024x128xf32>
    %tanh3A_340 = math.tanh %slice3A_339 : vector<1024x128xf32>
    %add3A_341 = arith.constant 1.000000e+00 : f32
    %add3A_342 = vector.broadcast %add3A_341 : f32 to vector<1024x128xf32>
    %add3A_343 = arith.addf %tanh3A_336, %add3A_342 : vector<1024x128xf32>
    %mul3A_344 = arith.mulf %add3A_343, %mul3A_247 : vector<1024x128xf32>
    %add3A_345 = arith.constant 1.000000e+00 : f32
    %add3A_346 = vector.broadcast %add3A_345 : f32 to vector<1024x128xf32>
    %add3A_347 = arith.addf %tanh3A_334, %add3A_346 : vector<1024x128xf32>
    %mul3A_348 = arith.mulf %add3A_347, %tanh3A_338 : vector<1024x128xf32>
    %add3A_349 = arith.addf %mul3A_344, %mul3A_348 : vector<1024x128xf32>
    %mul3A_350 = arith.constant 5.000000e-01 : f32
    %mul3A_351 = vector.broadcast %mul3A_350 : f32 to vector<1024x128xf32>
    %mul3A_352 = arith.mulf %mul3A_351, %add3A_349 : vector<1024x128xf32>
    %add3A_353 = arith.constant 1.000000e+00 : f32
    %add3A_354 = vector.broadcast %add3A_353 : f32 to vector<1024x128xf32>
    %add3A_355 = arith.addf %tanh3A_340, %add3A_354 : vector<1024x128xf32>
    %tanh3A_356 = math.tanh %mul3A_352 : vector<1024x128xf32>
    %mul3A_357 = arith.mulf %add3A_355, %tanh3A_356 : vector<1024x128xf32>
    %convert_element_type3A_358 = arith.truncf %mul3A_357 : vector<1024x128xf32> to vector<1024x128xbf16>
    %get3A_359 = arith.constant 0 : index
    %get3A_360 = arith.constant 0 : index
    %get3A_361 = vector.load %arg5[%get3A_359, %get3A_360] : memref<128x20xbf16, #tpu.memory_space<vmem>>, vector<128x20xbf16>
    %dot_general3A_362 = arith.constant dense<0.000000e+00> : vector<1024x20xf32>
    %dot_general3A_363 = tpu.matmul %convert_element_type3A_358, %get3A_361, %dot_general3A_362 {dimension_numbers = #tpu.dot_dimension_numbers<[1], [0], [0], [1], [0, 0, 1, 1], [], []>, transpose_lhs_hint = false} : vector<1024x128xbf16>, vector<128x20xbf16>, vector<1024x20xf32> -> vector<1024x20xf32>
    %get3A_364 = arith.constant 0 : index
    %get3A_365 = arith.constant 0 : index
    %get3A_366 = vector.load %arg7[%get3A_364, %get3A_365] : memref<1x20xf32, #tpu.memory_space<vmem>>, vector<1x20xf32>
    %add3A_367 = vector.broadcast %get3A_366 : vector<1x20xf32> to vector<1024x20xf32>
    %add3A_368 = arith.addf %dot_general3A_363, %add3A_367 : vector<1024x20xf32>
    %convert_element_type3A_369 = arith.truncf %add3A_368 : vector<1024x20xf32> to vector<1024x20xbf16>
    %swap3A_370 = arith.constant 3 : index
    %swap3A_371 = arith.constant 0 : index
    %swap3A_372 = arith.constant 0 : index
    %swap3A_373 = vector.load %arg8[%swap3A_370, %swap3A_371, %swap3A_372] : memref<8x1024x20xbf16, #tpu.memory_space<vmem>>, vector<1x1024x20xbf16>
    %swap3A_374 = vector.shape_cast %swap3A_373 : vector<1x1024x20xbf16> to vector<1024x20xbf16>
    %swap3A_375 = vector.shape_cast %convert_element_type3A_369 : vector<1024x20xbf16> to vector<1x1024x20xbf16>
    tpu.vector_store %arg8[%swap3A_370, %swap3A_371, %swap3A_372], %swap3A_375 {strides = array<i32>} : memref<8x1024x20xbf16, #tpu.memory_space<vmem>>, vector<1x1024x20xbf16>,
    %get3A_376 = arith.constant 4 : index
    %get3A_377 = arith.constant 0 : index
    %get3A_378 = arith.constant 0 : index
    %get3A_379 = vector.load %arg2[%get3A_376, %get3A_377, %get3A_378] : memref<8x1024x128xf32, #tpu.memory_space<vmem>>, vector<1x1024x128xf32>
    %get3A_380 = vector.shape_cast %get3A_379 : vector<1x1024x128xf32> to vector<1024x128xf32>
    %get3A_381 = arith.constant 0 : index
    %get3A_382 = arith.constant 0 : index
    %get3A_383 = vector.load %arg4[%get3A_381, %get3A_382] : memref<256x512xbf16, #tpu.memory_space<vmem>>, vector<256x512xbf16>
    %convert_element_type3A_384 = arith.truncf %get3A_380 : vector<1024x128xf32> to vector<1024x128xbf16>
    %concatenate3A_385 = tpu.concatenate %convert_element_type3A_384, %convert_element_type3A_308 in 1 : vector<1024x128xbf16>, vector<1024x128xbf16> -> vector<1024x256xbf16>
    %dot_general3A_386 = arith.constant dense<0.000000e+00> : vector<1024x512xf32>
    %dot_general3A_387 = tpu.matmul %concatenate3A_385, %get3A_383, %dot_general3A_386 {dimension_numbers = #tpu.dot_dimension_numbers<[1], [0], [0], [1], [0, 0, 1, 1], [], []>, transpose_lhs_hint = false} : vector<1024x256xbf16>, vector<256x512xbf16>, vector<1024x512xf32> -> vector<1024x512xf32>
    %slice3A_388 = vector.extract_strided_slice %dot_general3A_387 {offsets = [0, 0], sizes = [1024, 128], strides = [1, 1]} : vector<1024x512xf32> to vector<1024x128xf32>
    %tanh3A_389 = math.tanh %slice3A_388 : vector<1024x128xf32>
    %slice3A_390 = vector.extract_strided_slice %dot_general3A_387 {offsets = [0, 128], sizes = [1024, 128], strides = [1, 1]} : vector<1024x512xf32> to vector<1024x128xf32>
    %tanh3A_391 = math.tanh %slice3A_390 : vector<1024x128xf32>
    %slice3A_392 = vector.extract_strided_slice %dot_general3A_387 {offsets = [0, 256], sizes = [1024, 128], strides = [1, 1]} : vector<1024x512xf32> to vector<1024x128xf32>
    %tanh3A_393 = math.tanh %slice3A_392 : vector<1024x128xf32>
    %slice3A_394 = vector.extract_strided_slice %dot_general3A_387 {offsets = [0, 384], sizes = [1024, 128], strides = [1, 1]} : vector<1024x512xf32> to vector<1024x128xf32>
    %tanh3A_395 = math.tanh %slice3A_394 : vector<1024x128xf32>
    %add3A_396 = arith.constant 1.000000e+00 : f32
    %add3A_397 = vector.broadcast %add3A_396 : f32 to vector<1024x128xf32>
    %add3A_398 = arith.addf %tanh3A_391, %add3A_397 : vector<1024x128xf32>
    %mul3A_399 = arith.mulf %add3A_398, %mul3A_302 : vector<1024x128xf32>
    %add3A_400 = arith.constant 1.000000e+00 : f32
    %add3A_401 = vector.broadcast %add3A_400 : f32 to vector<1024x128xf32>
    %add3A_402 = arith.addf %tanh3A_389, %add3A_401 : vector<1024x128xf32>
    %mul3A_403 = arith.mulf %add3A_402, %tanh3A_393 : vector<1024x128xf32>
    %add3A_404 = arith.addf %mul3A_399, %mul3A_403 : vector<1024x128xf32>
    %mul3A_405 = arith.constant 5.000000e-01 : f32
    %mul3A_406 = vector.broadcast %mul3A_405 : f32 to vector<1024x128xf32>
    %mul3A_407 = arith.mulf %mul3A_406, %add3A_404 : vector<1024x128xf32>
    %add3A_408 = arith.constant 1.000000e+00 : f32
    %add3A_409 = vector.broadcast %add3A_408 : f32 to vector<1024x128xf32>
    %add3A_410 = arith.addf %tanh3A_395, %add3A_409 : vector<1024x128xf32>
    %tanh3A_411 = math.tanh %mul3A_407 : vector<1024x128xf32>
    %mul3A_412 = arith.mulf %add3A_410, %tanh3A_411 : vector<1024x128xf32>
    %convert_element_type3A_413 = arith.truncf %mul3A_412 : vector<1024x128xf32> to vector<1024x128xbf16>
    %get3A_414 = arith.constant 0 : index
    %get3A_415 = arith.constant 0 : index
    %get3A_416 = vector.load %arg6[%get3A_414, %get3A_415] : memref<128x20xbf16, #tpu.memory_space<vmem>>, vector<128x20xbf16>
    %dot_general3A_417 = arith.constant dense<0.000000e+00> : vector<1024x20xf32>
    %dot_general3A_418 = tpu.matmul %convert_element_type3A_413, %get3A_416, %dot_general3A_417 {dimension_numbers = #tpu.dot_dimension_numbers<[1], [0], [0], [1], [0, 0, 1, 1], [], []>, transpose_lhs_hint = false} : vector<1024x128xbf16>, vector<128x20xbf16>, vector<1024x20xf32> -> vector<1024x20xf32>
    %convert_element_type3A_419 = arith.truncf %dot_general3A_418 : vector<1024x20xf32> to vector<1024x20xbf16>
    %swap3A_420 = arith.constant 4 : index
    %swap3A_421 = arith.constant 0 : index
    %swap3A_422 = arith.constant 0 : index
    %swap3A_423 = vector.load %arg9[%swap3A_420, %swap3A_421, %swap3A_422] : memref<8x1024x20xbf16, #tpu.memory_space<vmem>>, vector<1x1024x20xbf16>
    %swap3A_424 = vector.shape_cast %swap3A_423 : vector<1x1024x20xbf16> to vector<1024x20xbf16>
    %swap3A_425 = vector.shape_cast %convert_element_type3A_419 : vector<1024x20xbf16> to vector<1x1024x20xbf16>
    tpu.vector_store %arg9[%swap3A_420, %swap3A_421, %swap3A_422], %swap3A_425 {strides = array<i32>} : memref<8x1024x20xbf16, #tpu.memory_space<vmem>>, vector<1x1024x20xbf16>,
    %get3A_426 = arith.constant 4 : index
    %get3A_427 = arith.constant 0 : index
    %get3A_428 = arith.constant 0 : index
    %get3A_429 = vector.load %arg1[%get3A_426, %get3A_427, %get3A_428] : memref<8x1024x128xf32, #tpu.memory_space<vmem>>, vector<1x1024x128xf32>
    %get3A_430 = vector.shape_cast %get3A_429 : vector<1x1024x128xf32> to vector<1024x128xf32>
    %get3A_431 = arith.constant 0 : index
    %get3A_432 = arith.constant 0 : index
    %get3A_433 = vector.load %arg3[%get3A_431, %get3A_432] : memref<256x512xbf16, #tpu.memory_space<vmem>>, vector<256x512xbf16>
    %convert_element_type3A_434 = arith.truncf %get3A_430 : vector<1024x128xf32> to vector<1024x128xbf16>
    %concatenate3A_435 = tpu.concatenate %convert_element_type3A_434, %convert_element_type3A_358 in 1 : vector<1024x128xbf16>, vector<1024x128xbf16> -> vector<1024x256xbf16>
    %dot_general3A_436 = arith.constant dense<0.000000e+00> : vector<1024x512xf32>
    %dot_general3A_437 = tpu.matmul %concatenate3A_435, %get3A_433, %dot_general3A_436 {dimension_numbers = #tpu.dot_dimension_numbers<[1], [0], [0], [1], [0, 0, 1, 1], [], []>, transpose_lhs_hint = false} : vector<1024x256xbf16>, vector<256x512xbf16>, vector<1024x512xf32> -> vector<1024x512xf32>
    %slice3A_438 = vector.extract_strided_slice %dot_general3A_437 {offsets = [0, 0], sizes = [1024, 128], strides = [1, 1]} : vector<1024x512xf32> to vector<1024x128xf32>
    %tanh3A_439 = math.tanh %slice3A_438 : vector<1024x128xf32>
    %slice3A_440 = vector.extract_strided_slice %dot_general3A_437 {offsets = [0, 128], sizes = [1024, 128], strides = [1, 1]} : vector<1024x512xf32> to vector<1024x128xf32>
    %tanh3A_441 = math.tanh %slice3A_440 : vector<1024x128xf32>
    %slice3A_442 = vector.extract_strided_slice %dot_general3A_437 {offsets = [0, 256], sizes = [1024, 128], strides = [1, 1]} : vector<1024x512xf32> to vector<1024x128xf32>
    %tanh3A_443 = math.tanh %slice3A_442 : vector<1024x128xf32>
    %slice3A_444 = vector.extract_strided_slice %dot_general3A_437 {offsets = [0, 384], sizes = [1024, 128], strides = [1, 1]} : vector<1024x512xf32> to vector<1024x128xf32>
    %tanh3A_445 = math.tanh %slice3A_444 : vector<1024x128xf32>
    %add3A_446 = arith.constant 1.000000e+00 : f32
    %add3A_447 = vector.broadcast %add3A_446 : f32 to vector<1024x128xf32>
    %add3A_448 = arith.addf %tanh3A_441, %add3A_447 : vector<1024x128xf32>
    %mul3A_449 = arith.mulf %add3A_448, %mul3A_352 : vector<1024x128xf32>
    %add3A_450 = arith.constant 1.000000e+00 : f32
    %add3A_451 = vector.broadcast %add3A_450 : f32 to vector<1024x128xf32>
    %add3A_452 = arith.addf %tanh3A_439, %add3A_451 : vector<1024x128xf32>
    %mul3A_453 = arith.mulf %add3A_452, %tanh3A_443 : vector<1024x128xf32>
    %add3A_454 = arith.addf %mul3A_449, %mul3A_453 : vector<1024x128xf32>
    %mul3A_455 = arith.constant 5.000000e-01 : f32
    %mul3A_456 = vector.broadcast %mul3A_455 : f32 to vector<1024x128xf32>
    %mul3A_457 = arith.mulf %mul3A_456, %add3A_454 : vector<1024x128xf32>
    %add3A_458 = arith.constant 1.000000e+00 : f32
    %add3A_459 = vector.broadcast %add3A_458 : f32 to vector<1024x128xf32>
    %add3A_460 = arith.addf %tanh3A_445, %add3A_459 : vector<1024x128xf32>
    %tanh3A_461 = math.tanh %mul3A_457 : vector<1024x128xf32>
    %mul3A_462 = arith.mulf %add3A_460, %tanh3A_461 : vector<1024x128xf32>
    %convert_element_type3A_463 = arith.truncf %mul3A_462 : vector<1024x128xf32> to vector<1024x128xbf16>
    %get3A_464 = arith.constant 0 : index
    %get3A_465 = arith.constant 0 : index
    %get3A_466 = vector.load %arg5[%get3A_464, %get3A_465] : memref<128x20xbf16, #tpu.memory_space<vmem>>, vector<128x20xbf16>
    %dot_general3A_467 = arith.constant dense<0.000000e+00> : vector<1024x20xf32>
    %dot_general3A_468 = tpu.matmul %convert_element_type3A_463, %get3A_466, %dot_general3A_467 {dimension_numbers = #tpu.dot_dimension_numbers<[1], [0], [0], [1], [0, 0, 1, 1], [], []>, transpose_lhs_hint = false} : vector<1024x128xbf16>, vector<128x20xbf16>, vector<1024x20xf32> -> vector<1024x20xf32>
    %get3A_469 = arith.constant 0 : index
    %get3A_470 = arith.constant 0 : index
    %get3A_471 = vector.load %arg7[%get3A_469, %get3A_470] : memref<1x20xf32, #tpu.memory_space<vmem>>, vector<1x20xf32>
    %add3A_472 = vector.broadcast %get3A_471 : vector<1x20xf32> to vector<1024x20xf32>
    %add3A_473 = arith.addf %dot_general3A_468, %add3A_472 : vector<1024x20xf32>
    %convert_element_type3A_474 = arith.truncf %add3A_473 : vector<1024x20xf32> to vector<1024x20xbf16>
    %swap3A_475 = arith.constant 4 : index
    %swap3A_476 = arith.constant 0 : index
    %swap3A_477 = arith.constant 0 : index
    %swap3A_478 = vector.load %arg8[%swap3A_475, %swap3A_476, %swap3A_477] : memref<8x1024x20xbf16, #tpu.memory_space<vmem>>, vector<1x1024x20xbf16>
    %swap3A_479 = vector.shape_cast %swap3A_478 : vector<1x1024x20xbf16> to vector<1024x20xbf16>
    %swap3A_480 = vector.shape_cast %convert_element_type3A_474 : vector<1024x20xbf16> to vector<1x1024x20xbf16>
    tpu.vector_store %arg8[%swap3A_475, %swap3A_476, %swap3A_477], %swap3A_480 {strides = array<i32>} : memref<8x1024x20xbf16, #tpu.memory_space<vmem>>, vector<1x1024x20xbf16>,
    %get3A_481 = arith.constant 3 : index
    %get3A_482 = arith.constant 0 : index
    %get3A_483 = arith.constant 0 : index
    %get3A_484 = vector.load %arg2[%get3A_481, %get3A_482, %get3A_483] : memref<8x1024x128xf32, #tpu.memory_space<vmem>>, vector<1x1024x128xf32>
    %get3A_485 = vector.shape_cast %get3A_484 : vector<1x1024x128xf32> to vector<1024x128xf32>
    %get3A_486 = arith.constant 0 : index
    %get3A_487 = arith.constant 0 : index
    %get3A_488 = vector.load %arg4[%get3A_486, %get3A_487] : memref<256x512xbf16, #tpu.memory_space<vmem>>, vector<256x512xbf16>
    %convert_element_type3A_489 = arith.truncf %get3A_485 : vector<1024x128xf32> to vector<1024x128xbf16>
    %concatenate3A_490 = tpu.concatenate %convert_element_type3A_489, %convert_element_type3A_413 in 1 : vector<1024x128xbf16>, vector<1024x128xbf16> -> vector<1024x256xbf16>
    %dot_general3A_491 = arith.constant dense<0.000000e+00> : vector<1024x512xf32>
    %dot_general3A_492 = tpu.matmul %concatenate3A_490, %get3A_488, %dot_general3A_491 {dimension_numbers = #tpu.dot_dimension_numbers<[1], [0], [0], [1], [0, 0, 1, 1], [], []>, transpose_lhs_hint = false} : vector<1024x256xbf16>, vector<256x512xbf16>, vector<1024x512xf32> -> vector<1024x512xf32>
    %slice3A_493 = vector.extract_strided_slice %dot_general3A_492 {offsets = [0, 0], sizes = [1024, 128], strides = [1, 1]} : vector<1024x512xf32> to vector<1024x128xf32>
    %tanh3A_494 = math.tanh %slice3A_493 : vector<1024x128xf32>
    %slice3A_495 = vector.extract_strided_slice %dot_general3A_492 {offsets = [0, 128], sizes = [1024, 128], strides = [1, 1]} : vector<1024x512xf32> to vector<1024x128xf32>
    %tanh3A_496 = math.tanh %slice3A_495 : vector<1024x128xf32>
    %slice3A_497 = vector.extract_strided_slice %dot_general3A_492 {offsets = [0, 256], sizes = [1024, 128], strides = [1, 1]} : vector<1024x512xf32> to vector<1024x128xf32>
    %tanh3A_498 = math.tanh %slice3A_497 : vector<1024x128xf32>
    %slice3A_499 = vector.extract_strided_slice %dot_general3A_492 {offsets = [0, 384], sizes = [1024, 128], strides = [1, 1]} : vector<1024x512xf32> to vector<1024x128xf32>
    %tanh3A_500 = math.tanh %slice3A_499 : vector<1024x128xf32>
    %add3A_501 = arith.constant 1.000000e+00 : f32
    %add3A_502 = vector.broadcast %add3A_501 : f32 to vector<1024x128xf32>
    %add3A_503 = arith.addf %tanh3A_496, %add3A_502 : vector<1024x128xf32>
    %mul3A_504 = arith.mulf %add3A_503, %mul3A_407 : vector<1024x128xf32>
    %add3A_505 = arith.constant 1.000000e+00 : f32
    %add3A_506 = vector.broadcast %add3A_505 : f32 to vector<1024x128xf32>
    %add3A_507 = arith.addf %tanh3A_494, %add3A_506 : vector<1024x128xf32>
    %mul3A_508 = arith.mulf %add3A_507, %tanh3A_498 : vector<1024x128xf32>
    %add3A_509 = arith.addf %mul3A_504, %mul3A_508 : vector<1024x128xf32>
    %mul3A_510 = arith.constant 5.000000e-01 : f32
    %mul3A_511 = vector.broadcast %mul3A_510 : f32 to vector<1024x128xf32>
    %mul3A_512 = arith.mulf %mul3A_511, %add3A_509 : vector<1024x128xf32>
    %add3A_513 = arith.constant 1.000000e+00 : f32
    %add3A_514 = vector.broadcast %add3A_513 : f32 to vector<1024x128xf32>
    %add3A_515 = arith.addf %tanh3A_500, %add3A_514 : vector<1024x128xf32>
    %tanh3A_516 = math.tanh %mul3A_512 : vector<1024x128xf32>
    %mul3A_517 = arith.mulf %add3A_515, %tanh3A_516 : vector<1024x128xf32>
    %convert_element_type3A_518 = arith.truncf %mul3A_517 : vector<1024x128xf32> to vector<1024x128xbf16>
    %get3A_519 = arith.constant 0 : index
    %get3A_520 = arith.constant 0 : index
    %get3A_521 = vector.load %arg6[%get3A_519, %get3A_520] : memref<128x20xbf16, #tpu.memory_space<vmem>>, vector<128x20xbf16>
    %dot_general3A_522 = arith.constant dense<0.000000e+00> : vector<1024x20xf32>
    %dot_general3A_523 = tpu.matmul %convert_element_type3A_518, %get3A_521, %dot_general3A_522 {dimension_numbers = #tpu.dot_dimension_numbers<[1], [0], [0], [1], [0, 0, 1, 1], [], []>, transpose_lhs_hint = false} : vector<1024x128xbf16>, vector<128x20xbf16>, vector<1024x20xf32> -> vector<1024x20xf32>
    %convert_element_type3A_524 = arith.truncf %dot_general3A_523 : vector<1024x20xf32> to vector<1024x20xbf16>
    %swap3A_525 = arith.constant 3 : index
    %swap3A_526 = arith.constant 0 : index
    %swap3A_527 = arith.constant 0 : index
    %swap3A_528 = vector.load %arg9[%swap3A_525, %swap3A_526, %swap3A_527] : memref<8x1024x20xbf16, #tpu.memory_space<vmem>>, vector<1x1024x20xbf16>
    %swap3A_529 = vector.shape_cast %swap3A_528 : vector<1x1024x20xbf16> to vector<1024x20xbf16>
    %swap3A_530 = vector.shape_cast %convert_element_type3A_524 : vector<1024x20xbf16> to vector<1x1024x20xbf16>
    tpu.vector_store %arg9[%swap3A_525, %swap3A_526, %swap3A_527], %swap3A_530 {strides = array<i32>} : memref<8x1024x20xbf16, #tpu.memory_space<vmem>>, vector<1x1024x20xbf16>,
    %get3A_531 = arith.constant 5 : index
    %get3A_532 = arith.constant 0 : index
    %get3A_533 = arith.constant 0 : index
    %get3A_534 = vector.load %arg1[%get3A_531, %get3A_532, %get3A_533] : memref<8x1024x128xf32, #tpu.memory_space<vmem>>, vector<1x1024x128xf32>
    %get3A_535 = vector.shape_cast %get3A_534 : vector<1x1024x128xf32> to vector<1024x128xf32>
    %get3A_536 = arith.constant 0 : index
    %get3A_537 = arith.constant 0 : index
    %get3A_538 = vector.load %arg3[%get3A_536, %get3A_537] : memref<256x512xbf16, #tpu.memory_space<vmem>>, vector<256x512xbf16>
    %convert_element_type3A_539 = arith.truncf %get3A_535 : vector<1024x128xf32> to vector<1024x128xbf16>
    %concatenate3A_540 = tpu.concatenate %convert_element_type3A_539, %convert_element_type3A_463 in 1 : vector<1024x128xbf16>, vector<1024x128xbf16> -> vector<1024x256xbf16>
    %dot_general3A_541 = arith.constant dense<0.000000e+00> : vector<1024x512xf32>
    %dot_general3A_542 = tpu.matmul %concatenate3A_540, %get3A_538, %dot_general3A_541 {dimension_numbers = #tpu.dot_dimension_numbers<[1], [0], [0], [1], [0, 0, 1, 1], [], []>, transpose_lhs_hint = false} : vector<1024x256xbf16>, vector<256x512xbf16>, vector<1024x512xf32> -> vector<1024x512xf32>
    %slice3A_543 = vector.extract_strided_slice %dot_general3A_542 {offsets = [0, 0], sizes = [1024, 128], strides = [1, 1]} : vector<1024x512xf32> to vector<1024x128xf32>
    %tanh3A_544 = math.tanh %slice3A_543 : vector<1024x128xf32>
    %slice3A_545 = vector.extract_strided_slice %dot_general3A_542 {offsets = [0, 128], sizes = [1024, 128], strides = [1, 1]} : vector<1024x512xf32> to vector<1024x128xf32>
    %tanh3A_546 = math.tanh %slice3A_545 : vector<1024x128xf32>
    %slice3A_547 = vector.extract_strided_slice %dot_general3A_542 {offsets = [0, 256], sizes = [1024, 128], strides = [1, 1]} : vector<1024x512xf32> to vector<1024x128xf32>
    %tanh3A_548 = math.tanh %slice3A_547 : vector<1024x128xf32>
    %slice3A_549 = vector.extract_strided_slice %dot_general3A_542 {offsets = [0, 384], sizes = [1024, 128], strides = [1, 1]} : vector<1024x512xf32> to vector<1024x128xf32>
    %tanh3A_550 = math.tanh %slice3A_549 : vector<1024x128xf32>
    %add3A_551 = arith.constant 1.000000e+00 : f32
    %add3A_552 = vector.broadcast %add3A_551 : f32 to vector<1024x128xf32>
    %add3A_553 = arith.addf %tanh3A_546, %add3A_552 : vector<1024x128xf32>
    %mul3A_554 = arith.mulf %add3A_553, %mul3A_457 : vector<1024x128xf32>
    %add3A_555 = arith.constant 1.000000e+00 : f32
    %add3A_556 = vector.broadcast %add3A_555 : f32 to vector<1024x128xf32>
    %add3A_557 = arith.addf %tanh3A_544, %add3A_556 : vector<1024x128xf32>
    %mul3A_558 = arith.mulf %add3A_557, %tanh3A_548 : vector<1024x128xf32>
    %add3A_559 = arith.addf %mul3A_554, %mul3A_558 : vector<1024x128xf32>
    %mul3A_560 = arith.constant 5.000000e-01 : f32
    %mul3A_561 = vector.broadcast %mul3A_560 : f32 to vector<1024x128xf32>
    %mul3A_562 = arith.mulf %mul3A_561, %add3A_559 : vector<1024x128xf32>
    %add3A_563 = arith.constant 1.000000e+00 : f32
    %add3A_564 = vector.broadcast %add3A_563 : f32 to vector<1024x128xf32>
    %add3A_565 = arith.addf %tanh3A_550, %add3A_564 : vector<1024x128xf32>
    %tanh3A_566 = math.tanh %mul3A_562 : vector<1024x128xf32>
    %mul3A_567 = arith.mulf %add3A_565, %tanh3A_566 : vector<1024x128xf32>
    %convert_element_type3A_568 = arith.truncf %mul3A_567 : vector<1024x128xf32> to vector<1024x128xbf16>
    %get3A_569 = arith.constant 0 : index
    %get3A_570 = arith.constant 0 : index
    %get3A_571 = vector.load %arg5[%get3A_569, %get3A_570] : memref<128x20xbf16, #tpu.memory_space<vmem>>, vector<128x20xbf16>
    %dot_general3A_572 = arith.constant dense<0.000000e+00> : vector<1024x20xf32>
    %dot_general3A_573 = tpu.matmul %convert_element_type3A_568, %get3A_571, %dot_general3A_572 {dimension_numbers = #tpu.dot_dimension_numbers<[1], [0], [0], [1], [0, 0, 1, 1], [], []>, transpose_lhs_hint = false} : vector<1024x128xbf16>, vector<128x20xbf16>, vector<1024x20xf32> -> vector<1024x20xf32>
    %get3A_574 = arith.constant 0 : index
    %get3A_575 = arith.constant 0 : index
    %get3A_576 = vector.load %arg7[%get3A_574, %get3A_575] : memref<1x20xf32, #tpu.memory_space<vmem>>, vector<1x20xf32>
    %add3A_577 = vector.broadcast %get3A_576 : vector<1x20xf32> to vector<1024x20xf32>
    %add3A_578 = arith.addf %dot_general3A_573, %add3A_577 : vector<1024x20xf32>
    %convert_element_type3A_579 = arith.truncf %add3A_578 : vector<1024x20xf32> to vector<1024x20xbf16>
    %swap3A_580 = arith.constant 5 : index
    %swap3A_581 = arith.constant 0 : index
    %swap3A_582 = arith.constant 0 : index
    %swap3A_583 = vector.load %arg8[%swap3A_580, %swap3A_581, %swap3A_582] : memref<8x1024x20xbf16, #tpu.memory_space<vmem>>, vector<1x1024x20xbf16>
    %swap3A_584 = vector.shape_cast %swap3A_583 : vector<1x1024x20xbf16> to vector<1024x20xbf16>
    %swap3A_585 = vector.shape_cast %convert_element_type3A_579 : vector<1024x20xbf16> to vector<1x1024x20xbf16>
    tpu.vector_store %arg8[%swap3A_580, %swap3A_581, %swap3A_582], %swap3A_585 {strides = array<i32>} : memref<8x1024x20xbf16, #tpu.memory_space<vmem>>, vector<1x1024x20xbf16>,
    %get3A_586 = arith.constant 2 : index
    %get3A_587 = arith.constant 0 : index
    %get3A_588 = arith.constant 0 : index
    %get3A_589 = vector.load %arg2[%get3A_586, %get3A_587, %get3A_588] : memref<8x1024x128xf32, #tpu.memory_space<vmem>>, vector<1x1024x128xf32>
    %get3A_590 = vector.shape_cast %get3A_589 : vector<1x1024x128xf32> to vector<1024x128xf32>
    %get3A_591 = arith.constant 0 : index
    %get3A_592 = arith.constant 0 : index
    %get3A_593 = vector.load %arg4[%get3A_591, %get3A_592] : memref<256x512xbf16, #tpu.memory_space<vmem>>, vector<256x512xbf16>
    %convert_element_type3A_594 = arith.truncf %get3A_590 : vector<1024x128xf32> to vector<1024x128xbf16>
    %concatenate3A_595 = tpu.concatenate %convert_element_type3A_594, %convert_element_type3A_518 in 1 : vector<1024x128xbf16>, vector<1024x128xbf16> -> vector<1024x256xbf16>
    %dot_general3A_596 = arith.constant dense<0.000000e+00> : vector<1024x512xf32>
    %dot_general3A_597 = tpu.matmul %concatenate3A_595, %get3A_593, %dot_general3A_596 {dimension_numbers = #tpu.dot_dimension_numbers<[1], [0], [0], [1], [0, 0, 1, 1], [], []>, transpose_lhs_hint = false} : vector<1024x256xbf16>, vector<256x512xbf16>, vector<1024x512xf32> -> vector<1024x512xf32>
    %slice3A_598 = vector.extract_strided_slice %dot_general3A_597 {offsets = [0, 0], sizes = [1024, 128], strides = [1, 1]} : vector<1024x512xf32> to vector<1024x128xf32>
    %tanh3A_599 = math.tanh %slice3A_598 : vector<1024x128xf32>
    %slice3A_600 = vector.extract_strided_slice %dot_general3A_597 {offsets = [0, 128], sizes = [1024, 128], strides = [1, 1]} : vector<1024x512xf32> to vector<1024x128xf32>
    %tanh3A_601 = math.tanh %slice3A_600 : vector<1024x128xf32>
    %slice3A_602 = vector.extract_strided_slice %dot_general3A_597 {offsets = [0, 256], sizes = [1024, 128], strides = [1, 1]} : vector<1024x512xf32> to vector<1024x128xf32>
    %tanh3A_603 = math.tanh %slice3A_602 : vector<1024x128xf32>
    %slice3A_604 = vector.extract_strided_slice %dot_general3A_597 {offsets = [0, 384], sizes = [1024, 128], strides = [1, 1]} : vector<1024x512xf32> to vector<1024x128xf32>
    %tanh3A_605 = math.tanh %slice3A_604 : vector<1024x128xf32>
    %add3A_606 = arith.constant 1.000000e+00 : f32
    %add3A_607 = vector.broadcast %add3A_606 : f32 to vector<1024x128xf32>
    %add3A_608 = arith.addf %tanh3A_601, %add3A_607 : vector<1024x128xf32>
    %mul3A_609 = arith.mulf %add3A_608, %mul3A_512 : vector<1024x128xf32>
    %add3A_610 = arith.constant 1.000000e+00 : f32
    %add3A_611 = vector.broadcast %add3A_610 : f32 to vector<1024x128xf32>
    %add3A_612 = arith.addf %tanh3A_599, %add3A_611 : vector<1024x128xf32>
    %mul3A_613 = arith.mulf %add3A_612, %tanh3A_603 : vector<1024x128xf32>
    %add3A_614 = arith.addf %mul3A_609, %mul3A_613 : vector<1024x128xf32>
    %mul3A_615 = arith.constant 5.000000e-01 : f32
    %mul3A_616 = vector.broadcast %mul3A_615 : f32 to vector<1024x128xf32>
    %mul3A_617 = arith.mulf %mul3A_616, %add3A_614 : vector<1024x128xf32>
    %add3A_618 = arith.constant 1.000000e+00 : f32
    %add3A_619 = vector.broadcast %add3A_618 : f32 to vector<1024x128xf32>
    %add3A_620 = arith.addf %tanh3A_605, %add3A_619 : vector<1024x128xf32>
    %tanh3A_621 = math.tanh %mul3A_617 : vector<1024x128xf32>
    %mul3A_622 = arith.mulf %add3A_620, %tanh3A_621 : vector<1024x128xf32>
    %convert_element_type3A_623 = arith.truncf %mul3A_622 : vector<1024x128xf32> to vector<1024x128xbf16>
    %get3A_624 = arith.constant 0 : index
    %get3A_625 = arith.constant 0 : index
    %get3A_626 = vector.load %arg6[%get3A_624, %get3A_625] : memref<128x20xbf16, #tpu.memory_space<vmem>>, vector<128x20xbf16>
    %dot_general3A_627 = arith.constant dense<0.000000e+00> : vector<1024x20xf32>
    %dot_general3A_628 = tpu.matmul %convert_element_type3A_623, %get3A_626, %dot_general3A_627 {dimension_numbers = #tpu.dot_dimension_numbers<[1], [0], [0], [1], [0, 0, 1, 1], [], []>, transpose_lhs_hint = false} : vector<1024x128xbf16>, vector<128x20xbf16>, vector<1024x20xf32> -> vector<1024x20xf32>
    %convert_element_type3A_629 = arith.truncf %dot_general3A_628 : vector<1024x20xf32> to vector<1024x20xbf16>
    %swap3A_630 = arith.constant 2 : index
    %swap3A_631 = arith.constant 0 : index
    %swap3A_632 = arith.constant 0 : index
    %swap3A_633 = vector.load %arg9[%swap3A_630, %swap3A_631, %swap3A_632] : memref<8x1024x20xbf16, #tpu.memory_space<vmem>>, vector<1x1024x20xbf16>
    %swap3A_634 = vector.shape_cast %swap3A_633 : vector<1x1024x20xbf16> to vector<1024x20xbf16>
    %swap3A_635 = vector.shape_cast %convert_element_type3A_629 : vector<1024x20xbf16> to vector<1x1024x20xbf16>
    tpu.vector_store %arg9[%swap3A_630, %swap3A_631, %swap3A_632], %swap3A_635 {strides = array<i32>} : memref<8x1024x20xbf16, #tpu.memory_space<vmem>>, vector<1x1024x20xbf16>,
    %get3A_636 = arith.constant 6 : index
    %get3A_637 = arith.constant 0 : index
    %get3A_638 = arith.constant 0 : index
    %get3A_639 = vector.load %arg1[%get3A_636, %get3A_637, %get3A_638] : memref<8x1024x128xf32, #tpu.memory_space<vmem>>, vector<1x1024x128xf32>
    %get3A_640 = vector.shape_cast %get3A_639 : vector<1x1024x128xf32> to vector<1024x128xf32>
    %get3A_641 = arith.constant 0 : index
    %get3A_642 = arith.constant 0 : index
    %get3A_643 = vector.load %arg3[%get3A_641, %get3A_642] : memref<256x512xbf16, #tpu.memory_space<vmem>>, vector<256x512xbf16>
    %convert_element_type3A_644 = arith.truncf %get3A_640 : vector<1024x128xf32> to vector<1024x128xbf16>
    %concatenate3A_645 = tpu.concatenate %convert_element_type3A_644, %convert_element_type3A_568 in 1 : vector<1024x128xbf16>, vector<1024x128xbf16> -> vector<1024x256xbf16>
    %dot_general3A_646 = arith.constant dense<0.000000e+00> : vector<1024x512xf32>
    %dot_general3A_647 = tpu.matmul %concatenate3A_645, %get3A_643, %dot_general3A_646 {dimension_numbers = #tpu.dot_dimension_numbers<[1], [0], [0], [1], [0, 0, 1, 1], [], []>, transpose_lhs_hint = false} : vector<1024x256xbf16>, vector<256x512xbf16>, vector<1024x512xf32> -> vector<1024x512xf32>
    %slice3A_648 = vector.extract_strided_slice %dot_general3A_647 {offsets = [0, 0], sizes = [1024, 128], strides = [1, 1]} : vector<1024x512xf32> to vector<1024x128xf32>
    %tanh3A_649 = math.tanh %slice3A_648 : vector<1024x128xf32>
    %slice3A_650 = vector.extract_strided_slice %dot_general3A_647 {offsets = [0, 128], sizes = [1024, 128], strides = [1, 1]} : vector<1024x512xf32> to vector<1024x128xf32>
    %tanh3A_651 = math.tanh %slice3A_650 : vector<1024x128xf32>
    %slice3A_652 = vector.extract_strided_slice %dot_general3A_647 {offsets = [0, 256], sizes = [1024, 128], strides = [1, 1]} : vector<1024x512xf32> to vector<1024x128xf32>
    %tanh3A_653 = math.tanh %slice3A_652 : vector<1024x128xf32>
    %slice3A_654 = vector.extract_strided_slice %dot_general3A_647 {offsets = [0, 384], sizes = [1024, 128], strides = [1, 1]} : vector<1024x512xf32> to vector<1024x128xf32>
    %tanh3A_655 = math.tanh %slice3A_654 : vector<1024x128xf32>
    %add3A_656 = arith.constant 1.000000e+00 : f32
    %add3A_657 = vector.broadcast %add3A_656 : f32 to vector<1024x128xf32>
    %add3A_658 = arith.addf %tanh3A_651, %add3A_657 : vector<1024x128xf32>
    %mul3A_659 = arith.mulf %add3A_658, %mul3A_562 : vector<1024x128xf32>
    %add3A_660 = arith.constant 1.000000e+00 : f32
    %add3A_661 = vector.broadcast %add3A_660 : f32 to vector<1024x128xf32>
    %add3A_662 = arith.addf %tanh3A_649, %add3A_661 : vector<1024x128xf32>
    %mul3A_663 = arith.mulf %add3A_662, %tanh3A_653 : vector<1024x128xf32>
    %add3A_664 = arith.addf %mul3A_659, %mul3A_663 : vector<1024x128xf32>
    %mul3A_665 = arith.constant 5.000000e-01 : f32
    %mul3A_666 = vector.broadcast %mul3A_665 : f32 to vector<1024x128xf32>
    %mul3A_667 = arith.mulf %mul3A_666, %add3A_664 : vector<1024x128xf32>
    %add3A_668 = arith.constant 1.000000e+00 : f32
    %add3A_669 = vector.broadcast %add3A_668 : f32 to vector<1024x128xf32>
    %add3A_670 = arith.addf %tanh3A_655, %add3A_669 : vector<1024x128xf32>
    %tanh3A_671 = math.tanh %mul3A_667 : vector<1024x128xf32>
    %mul3A_672 = arith.mulf %add3A_670, %tanh3A_671 : vector<1024x128xf32>
    %convert_element_type3A_673 = arith.truncf %mul3A_672 : vector<1024x128xf32> to vector<1024x128xbf16>
    %get3A_674 = arith.constant 0 : index
    %get3A_675 = arith.constant 0 : index
    %get3A_676 = vector.load %arg5[%get3A_674, %get3A_675] : memref<128x20xbf16, #tpu.memory_space<vmem>>, vector<128x20xbf16>
    %dot_general3A_677 = arith.constant dense<0.000000e+00> : vector<1024x20xf32>
    %dot_general3A_678 = tpu.matmul %convert_element_type3A_673, %get3A_676, %dot_general3A_677 {dimension_numbers = #tpu.dot_dimension_numbers<[1], [0], [0], [1], [0, 0, 1, 1], [], []>, transpose_lhs_hint = false} : vector<1024x128xbf16>, vector<128x20xbf16>, vector<1024x20xf32> -> vector<1024x20xf32>
    %get3A_679 = arith.constant 0 : index
    %get3A_680 = arith.constant 0 : index
    %get3A_681 = vector.load %arg7[%get3A_679, %get3A_680] : memref<1x20xf32, #tpu.memory_space<vmem>>, vector<1x20xf32>
    %add3A_682 = vector.broadcast %get3A_681 : vector<1x20xf32> to vector<1024x20xf32>
    %add3A_683 = arith.addf %dot_general3A_678, %add3A_682 : vector<1024x20xf32>
    %convert_element_type3A_684 = arith.truncf %add3A_683 : vector<1024x20xf32> to vector<1024x20xbf16>
    %swap3A_685 = arith.constant 6 : index
    %swap3A_686 = arith.constant 0 : index
    %swap3A_687 = arith.constant 0 : index
    %swap3A_688 = vector.load %arg8[%swap3A_685, %swap3A_686, %swap3A_687] : memref<8x1024x20xbf16, #tpu.memory_space<vmem>>, vector<1x1024x20xbf16>
    %swap3A_689 = vector.shape_cast %swap3A_688 : vector<1x1024x20xbf16> to vector<1024x20xbf16>
    %swap3A_690 = vector.shape_cast %convert_element_type3A_684 : vector<1024x20xbf16> to vector<1x1024x20xbf16>
    tpu.vector_store %arg8[%swap3A_685, %swap3A_686, %swap3A_687], %swap3A_690 {strides = array<i32>} : memref<8x1024x20xbf16, #tpu.memory_space<vmem>>, vector<1x1024x20xbf16>,
    %get3A_691 = arith.constant 1 : index
    %get3A_692 = arith.constant 0 : index
    %get3A_693 = arith.constant 0 : index
    %get3A_694 = vector.load %arg2[%get3A_691, %get3A_692, %get3A_693] : memref<8x1024x128xf32, #tpu.memory_space<vmem>>, vector<1x1024x128xf32>
    %get3A_695 = vector.shape_cast %get3A_694 : vector<1x1024x128xf32> to vector<1024x128xf32>
    %get3A_696 = arith.constant 0 : index
    %get3A_697 = arith.constant 0 : index
    %get3A_698 = vector.load %arg4[%get3A_696, %get3A_697] : memref<256x512xbf16, #tpu.memory_space<vmem>>, vector<256x512xbf16>
    %convert_element_type3A_699 = arith.truncf %get3A_695 : vector<1024x128xf32> to vector<1024x128xbf16>
    %concatenate3A_700 = tpu.concatenate %convert_element_type3A_699, %convert_element_type3A_623 in 1 : vector<1024x128xbf16>, vector<1024x128xbf16> -> vector<1024x256xbf16>
    %dot_general3A_701 = arith.constant dense<0.000000e+00> : vector<1024x512xf32>
    %dot_general3A_702 = tpu.matmul %concatenate3A_700, %get3A_698, %dot_general3A_701 {dimension_numbers = #tpu.dot_dimension_numbers<[1], [0], [0], [1], [0, 0, 1, 1], [], []>, transpose_lhs_hint = false} : vector<1024x256xbf16>, vector<256x512xbf16>, vector<1024x512xf32> -> vector<1024x512xf32>
    %slice3A_703 = vector.extract_strided_slice %dot_general3A_702 {offsets = [0, 0], sizes = [1024, 128], strides = [1, 1]} : vector<1024x512xf32> to vector<1024x128xf32>
    %tanh3A_704 = math.tanh %slice3A_703 : vector<1024x128xf32>
    %slice3A_705 = vector.extract_strided_slice %dot_general3A_702 {offsets = [0, 128], sizes = [1024, 128], strides = [1, 1]} : vector<1024x512xf32> to vector<1024x128xf32>
    %tanh3A_706 = math.tanh %slice3A_705 : vector<1024x128xf32>
    %slice3A_707 = vector.extract_strided_slice %dot_general3A_702 {offsets = [0, 256], sizes = [1024, 128], strides = [1, 1]} : vector<1024x512xf32> to vector<1024x128xf32>
    %tanh3A_708 = math.tanh %slice3A_707 : vector<1024x128xf32>
    %slice3A_709 = vector.extract_strided_slice %dot_general3A_702 {offsets = [0, 384], sizes = [1024, 128], strides = [1, 1]} : vector<1024x512xf32> to vector<1024x128xf32>
    %tanh3A_710 = math.tanh %slice3A_709 : vector<1024x128xf32>
    %add3A_711 = arith.constant 1.000000e+00 : f32
    %add3A_712 = vector.broadcast %add3A_711 : f32 to vector<1024x128xf32>
    %add3A_713 = arith.addf %tanh3A_706, %add3A_712 : vector<1024x128xf32>
    %mul3A_714 = arith.mulf %add3A_713, %mul3A_617 : vector<1024x128xf32>
    %add3A_715 = arith.constant 1.000000e+00 : f32
    %add3A_716 = vector.broadcast %add3A_715 : f32 to vector<1024x128xf32>
    %add3A_717 = arith.addf %tanh3A_704, %add3A_716 : vector<1024x128xf32>
    %mul3A_718 = arith.mulf %add3A_717, %tanh3A_708 : vector<1024x128xf32>
    %add3A_719 = arith.addf %mul3A_714, %mul3A_718 : vector<1024x128xf32>
    %mul3A_720 = arith.constant 5.000000e-01 : f32
    %mul3A_721 = vector.broadcast %mul3A_720 : f32 to vector<1024x128xf32>
    %mul3A_722 = arith.mulf %mul3A_721, %add3A_719 : vector<1024x128xf32>
    %add3A_723 = arith.constant 1.000000e+00 : f32
    %add3A_724 = vector.broadcast %add3A_723 : f32 to vector<1024x128xf32>
    %add3A_725 = arith.addf %tanh3A_710, %add3A_724 : vector<1024x128xf32>
    %tanh3A_726 = math.tanh %mul3A_722 : vector<1024x128xf32>
    %mul3A_727 = arith.mulf %add3A_725, %tanh3A_726 : vector<1024x128xf32>
    %convert_element_type3A_728 = arith.truncf %mul3A_727 : vector<1024x128xf32> to vector<1024x128xbf16>
    %get3A_729 = arith.constant 0 : index
    %get3A_730 = arith.constant 0 : index
    %get3A_731 = vector.load %arg6[%get3A_729, %get3A_730] : memref<128x20xbf16, #tpu.memory_space<vmem>>, vector<128x20xbf16>
    %dot_general3A_732 = arith.constant dense<0.000000e+00> : vector<1024x20xf32>
    %dot_general3A_733 = tpu.matmul %convert_element_type3A_728, %get3A_731, %dot_general3A_732 {dimension_numbers = #tpu.dot_dimension_numbers<[1], [0], [0], [1], [0, 0, 1, 1], [], []>, transpose_lhs_hint = false} : vector<1024x128xbf16>, vector<128x20xbf16>, vector<1024x20xf32> -> vector<1024x20xf32>
    %convert_element_type3A_734 = arith.truncf %dot_general3A_733 : vector<1024x20xf32> to vector<1024x20xbf16>
    %swap3A_735 = arith.constant 1 : index
    %swap3A_736 = arith.constant 0 : index
    %swap3A_737 = arith.constant 0 : index
    %swap3A_738 = vector.load %arg9[%swap3A_735, %swap3A_736, %swap3A_737] : memref<8x1024x20xbf16, #tpu.memory_space<vmem>>, vector<1x1024x20xbf16>
    %swap3A_739 = vector.shape_cast %swap3A_738 : vector<1x1024x20xbf16> to vector<1024x20xbf16>
    %swap3A_740 = vector.shape_cast %convert_element_type3A_734 : vector<1024x20xbf16> to vector<1x1024x20xbf16>
    tpu.vector_store %arg9[%swap3A_735, %swap3A_736, %swap3A_737], %swap3A_740 {strides = array<i32>} : memref<8x1024x20xbf16, #tpu.memory_space<vmem>>, vector<1x1024x20xbf16>,
    %get3A_741 = arith.constant 7 : index
    %get3A_742 = arith.constant 0 : index
    %get3A_743 = arith.constant 0 : index
    %get3A_744 = vector.load %arg1[%get3A_741, %get3A_742, %get3A_743] : memref<8x1024x128xf32, #tpu.memory_space<vmem>>, vector<1x1024x128xf32>
    %get3A_745 = vector.shape_cast %get3A_744 : vector<1x1024x128xf32> to vector<1024x128xf32>
    %get3A_746 = arith.constant 0 : index
    %get3A_747 = arith.constant 0 : index
    %get3A_748 = vector.load %arg3[%get3A_746, %get3A_747] : memref<256x512xbf16, #tpu.memory_space<vmem>>, vector<256x512xbf16>
    %convert_element_type3A_749 = arith.truncf %get3A_745 : vector<1024x128xf32> to vector<1024x128xbf16>
    %concatenate3A_750 = tpu.concatenate %convert_element_type3A_749, %convert_element_type3A_673 in 1 : vector<1024x128xbf16>, vector<1024x128xbf16> -> vector<1024x256xbf16>
    %dot_general3A_751 = arith.constant dense<0.000000e+00> : vector<1024x512xf32>
    %dot_general3A_752 = tpu.matmul %concatenate3A_750, %get3A_748, %dot_general3A_751 {dimension_numbers = #tpu.dot_dimension_numbers<[1], [0], [0], [1], [0, 0, 1, 1], [], []>, transpose_lhs_hint = false} : vector<1024x256xbf16>, vector<256x512xbf16>, vector<1024x512xf32> -> vector<1024x512xf32>
    %slice3A_753 = vector.extract_strided_slice %dot_general3A_752 {offsets = [0, 0], sizes = [1024, 128], strides = [1, 1]} : vector<1024x512xf32> to vector<1024x128xf32>
    %tanh3A_754 = math.tanh %slice3A_753 : vector<1024x128xf32>
    %slice3A_755 = vector.extract_strided_slice %dot_general3A_752 {offsets = [0, 128], sizes = [1024, 128], strides = [1, 1]} : vector<1024x512xf32> to vector<1024x128xf32>
    %tanh3A_756 = math.tanh %slice3A_755 : vector<1024x128xf32>
    %slice3A_757 = vector.extract_strided_slice %dot_general3A_752 {offsets = [0, 256], sizes = [1024, 128], strides = [1, 1]} : vector<1024x512xf32> to vector<1024x128xf32>
    %tanh3A_758 = math.tanh %slice3A_757 : vector<1024x128xf32>
    %slice3A_759 = vector.extract_strided_slice %dot_general3A_752 {offsets = [0, 384], sizes = [1024, 128], strides = [1, 1]} : vector<1024x512xf32> to vector<1024x128xf32>
    %tanh3A_760 = math.tanh %slice3A_759 : vector<1024x128xf32>
    %add3A_761 = arith.constant 1.000000e+00 : f32
    %add3A_762 = vector.broadcast %add3A_761 : f32 to vector<1024x128xf32>
    %add3A_763 = arith.addf %tanh3A_756, %add3A_762 : vector<1024x128xf32>
    %mul3A_764 = arith.mulf %add3A_763, %mul3A_667 : vector<1024x128xf32>
    %add3A_765 = arith.constant 1.000000e+00 : f32
    %add3A_766 = vector.broadcast %add3A_765 : f32 to vector<1024x128xf32>
    %add3A_767 = arith.addf %tanh3A_754, %add3A_766 : vector<1024x128xf32>
    %mul3A_768 = arith.mulf %add3A_767, %tanh3A_758 : vector<1024x128xf32>
    %add3A_769 = arith.addf %mul3A_764, %mul3A_768 : vector<1024x128xf32>
    %mul3A_770 = arith.constant 5.000000e-01 : f32
    %mul3A_771 = vector.broadcast %mul3A_770 : f32 to vector<1024x128xf32>
    %mul3A_772 = arith.mulf %mul3A_771, %add3A_769 : vector<1024x128xf32>
    %add3A_773 = arith.constant 1.000000e+00 : f32
    %add3A_774 = vector.broadcast %add3A_773 : f32 to vector<1024x128xf32>
    %add3A_775 = arith.addf %tanh3A_760, %add3A_774 : vector<1024x128xf32>
    %tanh3A_776 = math.tanh %mul3A_772 : vector<1024x128xf32>
    %mul3A_777 = arith.mulf %add3A_775, %tanh3A_776 : vector<1024x128xf32>
    %convert_element_type3A_778 = arith.truncf %mul3A_777 : vector<1024x128xf32> to vector<1024x128xbf16>
    %get3A_779 = arith.constant 0 : index
    %get3A_780 = arith.constant 0 : index
    %get3A_781 = vector.load %arg5[%get3A_779, %get3A_780] : memref<128x20xbf16, #tpu.memory_space<vmem>>, vector<128x20xbf16>
    %dot_general3A_782 = arith.constant dense<0.000000e+00> : vector<1024x20xf32>
    %dot_general3A_783 = tpu.matmul %convert_element_type3A_778, %get3A_781, %dot_general3A_782 {dimension_numbers = #tpu.dot_dimension_numbers<[1], [0], [0], [1], [0, 0, 1, 1], [], []>, transpose_lhs_hint = false} : vector<1024x128xbf16>, vector<128x20xbf16>, vector<1024x20xf32> -> vector<1024x20xf32>
    %get3A_784 = arith.constant 0 : index
    %get3A_785 = arith.constant 0 : index
    %get3A_786 = vector.load %arg7[%get3A_784, %get3A_785] : memref<1x20xf32, #tpu.memory_space<vmem>>, vector<1x20xf32>
    %add3A_787 = vector.broadcast %get3A_786 : vector<1x20xf32> to vector<1024x20xf32>
    %add3A_788 = arith.addf %dot_general3A_783, %add3A_787 : vector<1024x20xf32>
    %convert_element_type3A_789 = arith.truncf %add3A_788 : vector<1024x20xf32> to vector<1024x20xbf16>
    %swap3A_790 = arith.constant 7 : index
    %swap3A_791 = arith.constant 0 : index
    %swap3A_792 = arith.constant 0 : index
    %swap3A_793 = vector.load %arg8[%swap3A_790, %swap3A_791, %swap3A_792] : memref<8x1024x20xbf16, #tpu.memory_space<vmem>>, vector<1x1024x20xbf16>
    %swap3A_794 = vector.shape_cast %swap3A_793 : vector<1x1024x20xbf16> to vector<1024x20xbf16>
    %swap3A_795 = vector.shape_cast %convert_element_type3A_789 : vector<1024x20xbf16> to vector<1x1024x20xbf16>
    tpu.vector_store %arg8[%swap3A_790, %swap3A_791, %swap3A_792], %swap3A_795 {strides = array<i32>} : memref<8x1024x20xbf16, #tpu.memory_space<vmem>>, vector<1x1024x20xbf16>,
    %get3A_796 = arith.constant 0 : index
    %get3A_797 = arith.constant 0 : index
    %get3A_798 = arith.constant 0 : index
    %get3A_799 = vector.load %arg2[%get3A_796, %get3A_797, %get3A_798] : memref<8x1024x128xf32, #tpu.memory_space<vmem>>, vector<1x1024x128xf32>
    %get3A_800 = vector.shape_cast %get3A_799 : vector<1x1024x128xf32> to vector<1024x128xf32>
    %get3A_801 = arith.constant 0 : index
    %get3A_802 = arith.constant 0 : index
    %get3A_803 = vector.load %arg4[%get3A_801, %get3A_802] : memref<256x512xbf16, #tpu.memory_space<vmem>>, vector<256x512xbf16>
    %convert_element_type3A_804 = arith.truncf %get3A_800 : vector<1024x128xf32> to vector<1024x128xbf16>
    %concatenate3A_805 = tpu.concatenate %convert_element_type3A_804, %convert_element_type3A_728 in 1 : vector<1024x128xbf16>, vector<1024x128xbf16> -> vector<1024x256xbf16>
    %dot_general3A_806 = arith.constant dense<0.000000e+00> : vector<1024x512xf32>
    %dot_general3A_807 = tpu.matmul %concatenate3A_805, %get3A_803, %dot_general3A_806 {dimension_numbers = #tpu.dot_dimension_numbers<[1], [0], [0], [1], [0, 0, 1, 1], [], []>, transpose_lhs_hint = false} : vector<1024x256xbf16>, vector<256x512xbf16>, vector<1024x512xf32> -> vector<1024x512xf32>
    %slice3A_808 = vector.extract_strided_slice %dot_general3A_807 {offsets = [0, 0], sizes = [1024, 128], strides = [1, 1]} : vector<1024x512xf32> to vector<1024x128xf32>
    %tanh3A_809 = math.tanh %slice3A_808 : vector<1024x128xf32>
    %slice3A_810 = vector.extract_strided_slice %dot_general3A_807 {offsets = [0, 128], sizes = [1024, 128], strides = [1, 1]} : vector<1024x512xf32> to vector<1024x128xf32>
    %tanh3A_811 = math.tanh %slice3A_810 : vector<1024x128xf32>
    %slice3A_812 = vector.extract_strided_slice %dot_general3A_807 {offsets = [0, 256], sizes = [1024, 128], strides = [1, 1]} : vector<1024x512xf32> to vector<1024x128xf32>
    %tanh3A_813 = math.tanh %slice3A_812 : vector<1024x128xf32>
    %slice3A_814 = vector.extract_strided_slice %dot_general3A_807 {offsets = [0, 384], sizes = [1024, 128], strides = [1, 1]} : vector<1024x512xf32> to vector<1024x128xf32>
    %tanh3A_815 = math.tanh %slice3A_814 : vector<1024x128xf32>
    %add3A_816 = arith.constant 1.000000e+00 : f32
    %add3A_817 = vector.broadcast %add3A_816 : f32 to vector<1024x128xf32>
    %add3A_818 = arith.addf %tanh3A_811, %add3A_817 : vector<1024x128xf32>
    %mul3A_819 = arith.mulf %add3A_818, %mul3A_722 : vector<1024x128xf32>
    %add3A_820 = arith.constant 1.000000e+00 : f32
    %add3A_821 = vector.broadcast %add3A_820 : f32 to vector<1024x128xf32>
    %add3A_822 = arith.addf %tanh3A_809, %add3A_821 : vector<1024x128xf32>
    %mul3A_823 = arith.mulf %add3A_822, %tanh3A_813 : vector<1024x128xf32>
    %add3A_824 = arith.addf %mul3A_819, %mul3A_823 : vector<1024x128xf32>
    %mul3A_825 = arith.constant 5.000000e-01 : f32
    %mul3A_826 = vector.broadcast %mul3A_825 : f32 to vector<1024x128xf32>
    %mul3A_827 = arith.mulf %mul3A_826, %add3A_824 : vector<1024x128xf32>
    %add3A_828 = arith.constant 1.000000e+00 : f32
    %add3A_829 = vector.broadcast %add3A_828 : f32 to vector<1024x128xf32>
    %add3A_830 = arith.addf %tanh3A_815, %add3A_829 : vector<1024x128xf32>
    %tanh3A_831 = math.tanh %mul3A_827 : vector<1024x128xf32>
    %mul3A_832 = arith.mulf %add3A_830, %tanh3A_831 : vector<1024x128xf32>
    %convert_element_type3A_833 = arith.truncf %mul3A_832 : vector<1024x128xf32> to vector<1024x128xbf16>
    %get3A_834 = arith.constant 0 : index
    %get3A_835 = arith.constant 0 : index
    %get3A_836 = vector.load %arg6[%get3A_834, %get3A_835] : memref<128x20xbf16, #tpu.memory_space<vmem>>, vector<128x20xbf16>
    %dot_general3A_837 = arith.constant dense<0.000000e+00> : vector<1024x20xf32>
    %dot_general3A_838 = tpu.matmul %convert_element_type3A_833, %get3A_836, %dot_general3A_837 {dimension_numbers = #tpu.dot_dimension_numbers<[1], [0], [0], [1], [0, 0, 1, 1], [], []>, transpose_lhs_hint = false} : vector<1024x128xbf16>, vector<128x20xbf16>, vector<1024x20xf32> -> vector<1024x20xf32>
    %convert_element_type3A_839 = arith.truncf %dot_general3A_838 : vector<1024x20xf32> to vector<1024x20xbf16>
    %swap3A_840 = arith.constant 0 : index
    %swap3A_841 = arith.constant 0 : index
    %swap3A_842 = arith.constant 0 : index
    %swap3A_843 = vector.load %arg9[%swap3A_840, %swap3A_841, %swap3A_842] : memref<8x1024x20xbf16, #tpu.memory_space<vmem>>, vector<1x1024x20xbf16>
    %swap3A_844 = vector.shape_cast %swap3A_843 : vector<1x1024x20xbf16> to vector<1024x20xbf16>
    %swap3A_845 = vector.shape_cast %convert_element_type3A_839 : vector<1024x20xbf16> to vector<1x1024x20xbf16>
    tpu.vector_store %arg9[%swap3A_840, %swap3A_841, %swap3A_842], %swap3A_845 {strides = array<i32>} : memref<8x1024x20xbf16, #tpu.memory_space<vmem>>, vector<1x1024x20xbf16>,
    %swap3A_846 = arith.constant 0 : index
    %swap3A_847 = arith.constant 0 : index
    %swap3A_848 = vector.load %arg10[%swap3A_846, %swap3A_847] : memref<1024x128xbf16, #tpu.memory_space<vmem>>, vector<1024x128xbf16>
    tpu.vector_store %arg10[%swap3A_846, %swap3A_847], %convert_element_type3A_778 {strides = array<i32>} : memref<1024x128xbf16, #tpu.memory_space<vmem>>, vector<1024x128xbf16>,
    %swap3A_849 = arith.constant 0 : index
    %swap3A_850 = arith.constant 0 : index
    %swap3A_851 = vector.load %arg11[%swap3A_849, %swap3A_850] : memref<1024x128xf32, #tpu.memory_space<vmem>>, vector<1024x128xf32>
    tpu.vector_store %arg11[%swap3A_849, %swap3A_850], %mul3A_772 {strides = array<i32>} : memref<1024x128xf32, #tpu.memory_space<vmem>>, vector<1024x128xf32>,
    %swap3A_852 = arith.constant 0 : index
    %swap3A_853 = arith.constant 0 : index
    %swap3A_854 = vector.load %arg12[%swap3A_852, %swap3A_853] : memref<1024x128xbf16, #tpu.memory_space<vmem>>, vector<1024x128xbf16>
    tpu.vector_store %arg12[%swap3A_852, %swap3A_853], %convert_element_type3A_833 {strides = array<i32>} : memref<1024x128xbf16, #tpu.memory_space<vmem>>, vector<1024x128xbf16>,
    %swap3A_855 = arith.constant 0 : index
    %swap3A_856 = arith.constant 0 : index
    %swap3A_857 = vector.load %arg13[%swap3A_855, %swap3A_856] : memref<1024x128xf32, #tpu.memory_space<vmem>>, vector<1024x128xf32>
    tpu.vector_store %arg13[%swap3A_855, %swap3A_856], %mul3A_827 {strides = array<i32>} : memref<1024x128xf32, #tpu.memory_space<vmem>>, vector<1024x128xf32>,
    return
  }
  func.func @transform_0(%arg0: i32) -> (i32, i32, i32) {
    %c0_i32 = arith.constant 0 : i32
    %c0_i32_0 = arith.constant 0 : i32
    %c0_i32_1 = arith.constant 0 : i32
    return %arg0, %c0_i32, %c0_i32_0 : i32, i32, i32
  }
  func.func @transform_1(%arg0: i32) -> (i32, i32, i32) {
    %sub3A = arith.constant 24 : i32
    %sub3A_0 = arith.subi %sub3A, %arg0 : i32
    %c0_i32 = arith.constant 0 : i32
    %c0_i32_1 = arith.constant 0 : i32
    %c0_i32_2 = arith.constant 0 : i32
    return %sub3A_0, %c0_i32, %c0_i32_1 : i32, i32, i32
  }
  func.func @transform_2(%arg0: i32) -> (i32, i32) {
    %c0_i32 = arith.constant 0 : i32
    %c0_i32_0 = arith.constant 0 : i32
    %c0_i32_1 = arith.constant 0 : i32
    return %c0_i32, %c0_i32_0 : i32, i32
  }
  func.func @transform_3(%arg0: i32) -> (i32, i32) {
    %c0_i32 = arith.constant 0 : i32
    %c0_i32_0 = arith.constant 0 : i32
    %c0_i32_1 = arith.constant 0 : i32
    return %c0_i32, %c0_i32_0 : i32, i32
  }
  func.func @transform_4(%arg0: i32) -> (i32, i32) {
    %c0_i32 = arith.constant 0 : i32
    %c0_i32_0 = arith.constant 0 : i32
    %c0_i32_1 = arith.constant 0 : i32
    return %c0_i32, %c0_i32_0 : i32, i32
  }
  func.func @transform_5(%arg0: i32) -> (i32, i32) {
    %c0_i32 = arith.constant 0 : i32
    %c0_i32_0 = arith.constant 0 : i32
    %c0_i32_1 = arith.constant 0 : i32
    return %c0_i32, %c0_i32_0 : i32, i32
  }
  func.func @transform_6(%arg0: i32) -> (i32, i32) {
    %c0_i32 = arith.constant 0 : i32
    %c0_i32_0 = arith.constant 0 : i32
    %c0_i32_1 = arith.constant 0 : i32
    return %c0_i32, %c0_i32_0 : i32, i32
  }
  func.func @transform_7(%arg0: i32) -> (i32, i32, i32) {
    %c0_i32 = arith.constant 0 : i32
    %c0_i32_0 = arith.constant 0 : i32
    %c0_i32_1 = arith.constant 0 : i32
    return %arg0, %c0_i32, %c0_i32_0 : i32, i32, i32
  }
  func.func @transform_8(%arg0: i32) -> (i32, i32, i32) {
    %sub3A = arith.constant 24 : i32
    %sub3A_0 = arith.subi %sub3A, %arg0 : i32
    %c0_i32 = arith.constant 0 : i32
    %c0_i32_1 = arith.constant 0 : i32
    %c0_i32_2 = arith.constant 0 : i32
    return %sub3A_0, %c0_i32, %c0_i32_1 : i32, i32, i32
  }
}

</mosaic_0001>

<sc_bundles>
// kernel: kernel.5.cloned.1.call-start
scs
__scs_entry_jumppad:
0x0: {  	(pc) =	sbr.rel $0x88, $3  }
0x1: {  	(tag) =	ssettag $0x0;
	lr =	simm.s32 $0x1  }
0x2: {  	[smem:$0x3F95] =	sst lr;
	_ =	strace $0xD0000000  }
0x3: {  	_ = 	snop  }
0x4: {  	_ = 	snop  }
0x5: {  	_ = 	snop  }
0x6: {  	_ = 	snop  }
0x7: {  	_ = 	snop  }
__scs_overlays_trampoline_lowered:
0x8: {  	[smem:$0x3FA4] =	sst s0  }
0x9: {  	[smem:$0x3FA5] =	sst s1  }
0xa: {  	[smem:$0x3FA6] =	sst s2  }
0xb: {  	[smem:$0x3FA7] =	sst s3  }
0xc: {  	[smem:$0x3FA8] =	sst s4  }
0xd: {  	[smem:$0x3FA9] =	sst s5  }
0xe: {  	[smem:$0x3FAA] =	sst s6  }
0xf: {  	[smem:$0x3FAB] =	sst s7  }
0x10: {  	[smem:$0x3FAC] =	sst s8  }
0x11: {  	[smem:$0x3FAD] =	sst s9;
	s0 =	simm.s32 @!p0 $0x0  }
0x12: {  	s1 =	sld [smem:$0x3F93];
	s0 =	simm.s32 @p0 $0x1  }
0x13: {  	[smem:$0x3FAE] =	sst s0;
	s0 =	simm.s32 @!p1 $0x0  }
0x14: {  	s2 =	sld [smem:$0x3F92];
	s0 =	simm.s32 @p1 $0x1  }
0x15: {  	[smem:$0x3FAF] =	sst s0;
	s0 =	simm.s32 @!p2 $0x0  }
0x16: {  	s3 =	sld [smem:$0x3FDB];
	s0 =	simm.s32 @p2 $0x1  }
0x17: {  	s4 =	simm.s32 $0x1BF5;
	[smem:$0x3FB1] =	sst s0  }
0x18: {  	s0 =	sld [smem:$0x3F94];
	_ =	swait.ge [sflag:s4], $0x0  }
0x19: {  	s7 =	sld [smem:$0x3F95]  }
0x1a: {  	s8 =	sadd.s32 $0xFFFFE003, lr  }
0x1b: {  	s9 =	sadd.s32 $0xFFFFFEF7, lr;
	s5 =	simm.s32 $0xFFFFFFFF;
	p2 =	slt.u32 s8, $0xFFFFF086  }
0x1c: {  	p1 =	slt.u32 s9, $0xF7A;
	s5 =	simm.s32 @!p2 $0x0  }
0x1d: {  	s5 =	simm.s32 @p1 $0x1;
	p0 =	seq.s32 s7, s2  }
0x1e: {  	s7 =	smul.u32 @!p0 $0xF7A, s2;
	p2 =	seq.s32 @!p0 s5, $0x0  }
0x1f: {  	s9 =	smul.u32 $0xF7A, s1;
	s8 =	simm.s32 @!p0 $0x1BF5;
	p2 =	por !p2, p0  }
0x20: {  	[sflag:s8] =	ssyncset.s32 @!p0 $0xFFFFF086;
	s6 =	sadd.s32 @!p0 s3, s7;
	s7 =	simm.s32 @!p0 $0x108  }
0x21: {  	s3 =	sadd.s32 s3, s9;
	s6 =	sadd.s32 @!p0 $0x88, s6;
	s7 =	simm.s32 @p2 $0x1082  }
0x22: {  	[simem:s7], [sflag:s8] =	dma.local @!p0 [hbm:s6], $0xF7A  }
0x23: {  	s9 =	sor.u32 $0xD0000000, s2;
	s6 =	simm.s32 $0x108;
	_ =	swait.ge @!p0 [sflag:s8], $0x0  }
0x24: {  	s3 =	sadd.s32 $0x88, s3;
	s6 =	simm.s32 @!p1 $0x1082;
	[sflag:s4] =	ssyncset.s32 $0xFFFFF086  }
0x25: {  	[simem:s6], [sflag:s4] =	dma.local [hbm:s3], $0xF7A  }
0x26: {  	[smem:$0x3F95] =	sst s1;
	(tag) =	ssettag s2;
	_ =	strace s9  }
0x27: {  	s1 =	sld [smem:$0x3FA5]  }
0x28: {  	s2 =	sld [smem:$0x3FA6]  }
0x29: {  	s4 =	sld [smem:$0x3FA8]  }
0x2a: {  	p0 =	seq.s32 s5, $0x0;
	s5 =	sld [smem:$0x3FA9]  }
0x2b: {  	s6 =	sld [smem:$0x3FAA]  }
0x2c: {  	s7 =	sld [smem:$0x3FAB]  }
0x2d: {  	s3 =	simm.s32 $0x108;
	s8 =	sld [smem:$0x3FAC]  }
0x2e: {  	s3 =	simm.s32 @!p0 $0x1082;
	s9 =	sld [smem:$0x3FAD]  }
0x2f: {  	lr =	sadd.s32 s0, s3;
	s0 =	sld [smem:$0x3FA4]  }
0x30: {  	s3 =	sld [smem:$0x3FA7]  }
0x31: {  	[smem:$0x3FB0] =	sst s10  }
0x32: {  	s10 =	sld [smem:$0x3FAE];
	_ =	sdelay $0x3  }
0x33: {  	p0 =	seq.s32 s10, $0x1;
	s10 =	sld [smem:$0x3FB0];
	_ =	sdelay $0x3  }
0x34: {  	[smem:$0x3FB0] =	sst s10  }
0x35: {  	s10 =	sld [smem:$0x3FAF];
	_ =	sdelay $0x3  }
0x36: {  	p1 =	seq.s32 s10, $0x1;
	s10 =	sld [smem:$0x3FB0];
	_ =	sdelay $0x3  }
0x37: {  	[smem:$0x3FB0] =	sst s10  }
0x38: {  	s10 =	sld [smem:$0x3FB1]  }
0x39: {  	_ = 	snop;
	(pc) =	sbr.ind lr, $3  }
0x3a: {  	_ = 	snop  }
0x3b: {  	_ = 	snop  }
0x3c: {  	p2 =	seq.s32 s10, $0x1;
	s10 =	sld [smem:$0x3FB0]  }
0x3d: {  	_ =	shalt  }
0x3e: {  	_ =	shalt  }
0x3f: {  	_ =	shalt  }
0x40: {  	_ =	shalt  }
0x41: {  	_ =	shalt  }
0x42: {  	_ =	shalt  }
0x43: {  	_ =	shalt  }
0x44: {  	_ =	shalt  }
0x45: {  	_ =	shalt  }
0x46: {  	_ =	shalt  }
0x47: {  	_ =	shalt  }
0x48: {  	_ =	shalt  }
0x49: {  	_ =	shalt  }
0x4a: {  	_ =	shalt  }
0x4b: {  	_ =	shalt  }
0x4c: {  	_ =	shalt  }
0x4d: {  	_ =	shalt  }
0x4e: {  	_ =	shalt  }
0x4f: {  	_ =	shalt  }
0x50: {  	_ =	shalt  }
0x51: {  	_ =	shalt  }
0x52: {  	_ =	shalt  }
0x53: {  	_ =	shalt  }
0x54: {  	_ =	shalt  }
0x55: {  	_ =	shalt  }
0x56: {  	_ =	shalt  }
0x57: {  	_ =	shalt  }
0x58: {  	_ =	shalt  }
0x59: {  	_ =	shalt  }
0x5a: {  	_ =	shalt  }
0x5b: {  	_ =	shalt  }
0x5c: {  	_ =	shalt  }
0x5d: {  	_ =	shalt  }
0x5e: {  	_ =	shalt  }
0x5f: {  	_ =	shalt  }
0x60: {  	_ =	shalt  }
0x61: {  	_ =	shalt  }
0x62: {  	_ =	shalt  }
0x63: {  	_ =	shalt  }
0x64: {  	_ =	shalt  }
0x65: {  	_ =	shalt  }
0x66: {  	_ =	shalt  }
0x67: {  	_ =	shalt  }
0x68: {  	_ =	shalt  }
0x69: {  	_ =	shalt  }
0x6a: {  	_ =	shalt  }
0x6b: {  	_ =	shalt  }
0x6c: {  	_ =	shalt  }
0x6d: {  	_ =	shalt  }
0x6e: {  	_ =	shalt  }
0x6f: {  	_ =	shalt  }
0x70: {  	_ =	shalt  }
0x71: {  	_ =	shalt  }
0x72: {  	_ =	shalt  }
0x73: {  	_ =	shalt  }
0x74: {  	_ =	shalt  }
0x75: {  	_ =	shalt  }
0x76: {  	_ =	shalt  }
0x77: {  	_ =	shalt  }
0x78: {  	_ =	shalt  }
0x79: {  	_ =	shalt  }
0x7a: {  	_ =	shalt  }
0x7b: {  	_ =	shalt  }
0x7c: {  	_ =	shalt  }
0x7d: {  	_ =	shalt  }
0x7e: {  	_ =	shalt  }
0x7f: {  	_ =	shalt  }
0x80: {  	_ =	shalt  }
0x81: {  	_ =	shalt  }
0x82: {  	_ =	shalt  }
0x83: {  	_ =	shalt  }
0x84: {  	_ =	shalt  }
0x85: {  	_ =	shalt  }
0x86: {  	_ =	shalt  }
0x87: {  	_ =	shalt  }
.Lfunc_end0:
.L_simem_size_0:
called_computation_lowered:
.L_overlay_start_0:
0x88: {  	s2 =	sld [smem:$0x3FD9]  }
0x89: {  	s3 =	sld [smem:$0x3FFE];
	_ =	sdelay $0x1  }
0x8a: {  	s1 =	srdreg.scid  }
0x8b: {  	s0 =	sand.u32 $0x1, s1  }
0x8c: {  	s17 =	sshll.u32 s0, $0xA;
	s2 =	sadd.s32 s3, s2  }
0x8d: {  	s2 =	sadd.s32 s2, s17  }
0x8e: {  	[smem:$0x3FBC] =	sst s2  }
0x8f: {  	_ = 	snop  }
0x90: {  	s2 =	sld [smem:$0x3FD0];
	(tm) =	ssettm $0x1  }
0x91: {  	s18 =	sld [smem:$0x3FFB];
	_ =	sdelay $0x3  }
0x92: {  	_ =	strace s18  }
0x93: {  	s3 =	sld [smem:$0x3FFC];
	_ =	sdelay $0x3  }
0x94: {  	_ =	strace s3  }
0x95: {  	s3 =	sld [smem:$0x3FFD];
	_ =	sdelay $0x3  }
0x96: {  	_ =	strace s3  }
0x97: {  	_ =	strace $0x8FFFFFFF  }
0x98: {  	s19 =	sld [smem:$0x3FDB];
	_ =	sdelay $0x1  }
0x99: {  	s4 =	simm.s32 $_scs_section_size  }
0x9a: {  	s5 =	simm.s32 $_size__tile_overlayer_lowered;
	s6 =	simm.s32 $_tile_overlayer_lowered  }
0x9b: {  	s22 =	simm.s32 $0x1BFF;
	s21 =	sshll.u32 s6, $0x1;
	s3 =	sadd.s32 s4, s19  }
0x9c: {  	s7 =	simm.s32 $0x0;
	s20 =	sshll.u32 s5, $0x1;
	s5 =	sadd.s32 s21, s3  }
0x9d: {  	[timem:s7], [sflag:s22] =	dma.local [hbm:s5], s20  }
0x9e: {  	_ =	swait.ge [sflag:s22], s20  }
0x9f: {  	s4 =	ssub.s32 $0x0, s20;
	[sflag:s22] =	ssyncset.done $0x0  }
0xa0: {  	[sflag:s22] =	ssyncadd.s32 s4;
	_ =	sdelay $0x1  }
0xa1: {  	s23 =	simm.s32 $0x1B8B  }
0xa2: {  	_ =	swait.ge [sflag:s23], $0x1  }
0xa3: {  	[sflag:s23] =	ssyncset.done $0x0  }
0xa4: {  	s25 =	simm.s32 $0x1B8E;
	s24 =	sld [smem:$0x3FFE];
	[sflag:s23] =	ssyncadd.s32 $0xFFFFFFFF  }
0xa5: {  	s26 =	simm.s32 $execute0_lowered;
	[smem:$0x3FD2] =	sst s25  }
0xa6: {  	s5 =	sshll.u32 s26, $0x1;
	_ =	strace $0x80000046;
	[dreg:$0x1] =	wrdreg $0xFFFFFFFF  }
0xa7: {  	s28 =	simm.s32 $_size_execute0_lowered;
	s3 =	sadd.s32 s3, s5;
	[dreg:$0x0] =	wrdreg $0x0  }
0xa8: {  	s5 =	sshll.u32 s28, $0x1;
	[dreg:$0x2] =	wrdreg s3  }
0xa9: {  	[dreg:$0x3] =	wrdreg s5  }
0xaa: {  	[dreg:$0x4] =	wrdreg $0xC0  }
0xab: {  	_ =	task [dreg:s7], $0x5FFFF  }
0xac: {  	[dreg:$0x1] =	wrdreg $0xFFFFFFFF  }
0xad: {  	[dreg:$0x0] =	wrdreg $0x60  }
0xae: {  	[dreg:$0x2] =	wrdreg s24  }
0xaf: {  	[dreg:$0x3] =	wrdreg s2  }
0xb0: {  	[dreg:$0x4] =	wrdreg $0x9  }
0xb1: {  	_ =	task.clear_ibuf [dreg:s7], $0x5FFFF;
	_ =	strace $0x90000046  }
0xb2: {  	s29 =	simm.s32 $0x9;
	_ =	strace $0x80000048  }
0xb3: {  	_ =	swait.ge [sflag:s29], $0x1  }
0xb4: {  	[sflag:s29] =	ssyncadd.s32 $0xFFFFFFFF  }
0xb5: {  	_ =	strace $0x90000048  }
0xb6: {  	_ =	sfence  }
0xb7: {  	s30 =	sld [smem:$0x0];
	_ =	sdelay $0x2  }
0xb8: {  	s31 =	sshll.u32 s1, $0xD;
	s1 =	sshrl.u32 s1, $0x2  }
0xb9: {  	s3 =	sand.u32 $0x4000, s31;
	s1 =	sadd.s32 s1, s30  }
0xba: {  	s0 =	sor.u32 s3, s0;
	s1 =	sshll.u32 s1, $0x11  }
0xbb: {  	s0 =	sor.u32 s1, s0  }
0xbc: {  	s0 =	sadd.s32 $0x8F2B, s0  }
0xbd: {  	[sflag:s0] =	ssyncadd.remote.s32 $0x1  }
0xbe: {  	_ =	sfence.sel $0xFFFF  }
0xbf: {  	[dreg:$0x0] =	wrdreg $0xFFFFFFFF;
	(pc) =	sbr.abs _section_cstart, $3  }
0xc0: {  	[dreg:$0x1] =	wrdreg $0xFFFFFFFF  }
0xc1: {  	_ =	task.clear_ibuf [dreg:s7], $0x2FFFF;
	_ =	strace $0x9FFFFFFF  }
0xc2: {  	(tm) =	ssettm $0x7FFFFFFF  }
0xc3: {  	_ =	shalt  }
tec
execute0_lowered:
.L_overlay_start_1:
0x0: {  	(tag) =	ssettag $0x1  }
0x1: {  	s1 =	srdreg.scid;
	s0 =	stileid.u32  }
0x2: {  	s1 =	sand.u32 $0x1, s1;
	s2 =	sshll.u32 s0, $0x1  }
0x3: {  	s5 =	sor.u32 s1, s2  }
0x4: {  	s4 =	rddreg [dreg:$0x0];
	s6 =	smul.u32 $0x320, s5  }
0x5: {  	s3 =	rddreg [dreg:$0x1];
	s2 =	simm.s32 $0x0;
	s7 =	smul.u32 $0xC8000, s5  }
0x6: {  	[smem:$0x7FF] =	sst s2;
	s5 =	smul.u32 $0x19000, s5  }
0x7: {  	s8 =	sadd.s32 $0x192400, s4;
	_ =	strace $0x80000047;
	s3 =	sadd.s32 s3, s6  }
0x8: {  	s14 =	sshrl.u32 s7, $0x3;
	s15 =	sadd.s32 s8, s5;
	[dreg:$0x3] =	wrdreg s3  }
0x9: {  	s31 =	sadd.s32 s8, s14;
	[dreg:$0x4] =	wrdreg s15  }
0xa: {  	s16 =	sadd.s32 $0x1900, s31;
	s25 =	rddreg [dreg:$0x3]  }
0xb: {  	s17 =	sadd.s32 $0x3200, s31;
	[dreg:$0x5] =	wrdreg s16  }
0xc: {  	s18 =	sadd.s32 $0x4B00, s31;
	[dreg:$0x6] =	wrdreg s17  }
0xd: {  	s19 =	sadd.s32 $0x6400, s31;
	[dreg:$0x7] =	wrdreg s18  }
0xe: {  	s20 =	sadd.s32 $0x7D00, s31;
	[dreg:$0x8] =	wrdreg s19  }
0xf: {  	s21 =	sadd.s32 $0x9600, s31;
	[dreg:$0x9] =	wrdreg s20  }
0x10: {  	s22 =	sadd.s32 $0xAF00, s31;
	[dreg:$0xa] =	wrdreg s21  }
0x11: {  	s23 =	sadd.s32 $0xC800, s31;
	[dreg:$0xb] =	wrdreg s22  }
0x12: {  	s24 =	sadd.s32 $0xE100, s31;
	[dreg:$0xc] =	wrdreg s23  }
0x13: {  	s26 =	sadd.s32 $0xFA00, s31;
	[dreg:$0xd] =	wrdreg s24  }
0x14: {  	s3 =	simm.s32 $0x5;
	[dreg:$0xe] =	wrdreg s26  }
0x15: {  	[tilespmem:s2], [sflag:$0x5] =	stream.linear.gather [hbm4b:s25+s2], $0x1900, $0x38;
	[tilespmem:$0x1A900] =	vst v63  }
0x16: {  	_ =	swait.ge [sflag:s3], $0x1900  }
0x17: {  	s4 =	sadd.s32 $0x2400, s4;
	[sflag:s3] =	ssyncset.done $0x0  }
0x18: {  	s5 =	simm.s32 $0x190;
	s6 =	simm.s32 $0x1900;
	[sflag:s3] =	ssyncadd.s32 $0xFFFFE700  }
0x19: {  	[tilespmem:s6], [sflag:$0x1] =	stream.indirect.gather [hbm4b:s4+s5], $0x80, s2, s5, $0xb8;
	[tilespmem:$0x1A900] =	vst v63  }
0x1a: {  	s7 =	simm.s32 $0xE100;
	s8 =	simm.s32 $0x1  }
0x1b: {  	[tilespmem:s7], [sflag:$0x2] =	stream.indirect.gather [hbm4b:s4+s5], $0x80, s5, s5, $0xb8;
	[tilespmem:$0x1A900] =	vst v63  }
0x1c: {  	_ =	swait.ge [sflag:s8], $0xC800  }
0x1d: {  	[sflag:s8] =	ssyncset.done $0x0  }
0x1e: {  	s9 =	simm.s32 $0x3;
	s10 =	rddreg [dreg:$0x4];
	[sflag:s8] =	ssyncadd.s32 $0xFFFF3800  }
0x1f: {  	[hbm4b:s10+s2] =	stream.linear.scatter [tilespmem:s6], [sflag:$0x3], $0xC800, $0x38;
	[tilespmem:$0x1A900] =	vst v63  }
0x20: {  	_ =	swait.ge [sflag:s9], $0xC800  }
0x21: {  	[sflag:s9] =	ssyncset.done $0x0  }
0x22: {  	s11 =	simm.s32 $0x2;
	s10 =	simm.s32 $0x320;
	[sflag:s9] =	ssyncadd.s32 $0xFFFF3800  }
0x23: {  	[tilespmem:s6], [sflag:$0x1] =	stream.indirect.gather [hbm4b:s4+s5], $0x80, s10, s5, $0xb8;
	[tilespmem:$0x1A900] =	vst v63  }
0x24: {  	_ =	swait.ge [sflag:s11], $0xC800  }
0x25: {  	[sflag:s11] =	ssyncset.done $0x0  }
0x26: {  	s12 =	simm.s32 $0x4;
	s13 =	rddreg [dreg:$0x5];
	[sflag:s11] =	ssyncadd.s32 $0xFFFF3800  }
0x27: {  	[hbm4b:s13+s2] =	stream.linear.scatter [tilespmem:s7], [sflag:$0x4], $0xC800, $0x38;
	[tilespmem:$0x1A900] =	vst v63  }
0x28: {  	_ =	swait.ge [sflag:s12], $0xC800  }
0x29: {  	[sflag:s12] =	ssyncset.done $0x0  }
0x2a: {  	s13 =	simm.s32 $0x4B0;
	[sflag:s12] =	ssyncadd.s32 $0xFFFF3800  }
0x2b: {  	[tilespmem:s7], [sflag:$0x2] =	stream.indirect.gather [hbm4b:s4+s5], $0x80, s13, s5, $0xb8;
	[tilespmem:$0x1A900] =	vst v63  }
0x2c: {  	_ =	swait.ge [sflag:s8], $0xC800  }
0x2d: {  	[sflag:s8] =	ssyncset.done $0x0  }
0x2e: {  	s14 =	rddreg [dreg:$0x6];
	[sflag:s8] =	ssyncadd.s32 $0xFFFF3800  }
0x2f: {  	[hbm4b:s14+s2] =	stream.linear.scatter [tilespmem:s6], [sflag:$0x3], $0xC800, $0x38;
	[tilespmem:$0x1A900] =	vst v63  }
0x30: {  	_ =	swait.ge [sflag:s9], $0xC800  }
0x31: {  	[sflag:s9] =	ssyncset.done $0x0  }
0x32: {  	s14 =	simm.s32 $0x640;
	[sflag:s9] =	ssyncadd.s32 $0xFFFF3800  }
0x33: {  	[tilespmem:s6], [sflag:$0x1] =	stream.indirect.gather [hbm4b:s4+s5], $0x80, s14, s5, $0xb8;
	[tilespmem:$0x1A900] =	vst v63  }
0x34: {  	_ =	swait.ge [sflag:s11], $0xC800  }
0x35: {  	[sflag:s11] =	ssyncset.done $0x0  }
0x36: {  	s15 =	rddreg [dreg:$0x7];
	[sflag:s11] =	ssyncadd.s32 $0xFFFF3800  }
0x37: {  	[hbm4b:s15+s2] =	stream.linear.scatter [tilespmem:s7], [sflag:$0x4], $0xC800, $0x38;
	[tilespmem:$0x1A900] =	vst v63  }
0x38: {  	_ =	swait.ge [sflag:s12], $0xC800  }
0x39: {  	[sflag:s12] =	ssyncset.done $0x0  }
0x3a: {  	s15 =	simm.s32 $0x7D0;
	[sflag:s12] =	ssyncadd.s32 $0xFFFF3800  }
0x3b: {  	[tilespmem:s7], [sflag:$0x2] =	stream.indirect.gather [hbm4b:s4+s5], $0x80, s15, s5, $0xb8;
	[tilespmem:$0x1A900] =	vst v63  }
0x3c: {  	_ =	swait.ge [sflag:s8], $0xC800  }
0x3d: {  	[sflag:s8] =	ssyncset.done $0x0  }
0x3e: {  	s16 =	rddreg [dreg:$0x8];
	[sflag:s8] =	ssyncadd.s32 $0xFFFF3800  }
0x3f: {  	[hbm4b:s16+s2] =	stream.linear.scatter [tilespmem:s6], [sflag:$0x3], $0xC800, $0x38;
	[tilespmem:$0x1A900] =	vst v63  }
0x40: {  	_ =	swait.ge [sflag:s9], $0xC800  }
0x41: {  	[sflag:s9] =	ssyncset.done $0x0  }
0x42: {  	s16 =	simm.s32 $0x960;
	[sflag:s9] =	ssyncadd.s32 $0xFFFF3800  }
0x43: {  	[tilespmem:s6], [sflag:$0x1] =	stream.indirect.gather [hbm4b:s4+s5], $0x80, s16, s5, $0xb8;
	[tilespmem:$0x1A900] =	vst v63  }
0x44: {  	_ =	swait.ge [sflag:s11], $0xC800  }
0x45: {  	[sflag:s11] =	ssyncset.done $0x0  }
0x46: {  	s17 =	rddreg [dreg:$0x9];
	[sflag:s11] =	ssyncadd.s32 $0xFFFF3800  }
0x47: {  	[hbm4b:s17+s2] =	stream.linear.scatter [tilespmem:s7], [sflag:$0x4], $0xC800, $0x38;
	[tilespmem:$0x1A900] =	vst v63  }
0x48: {  	_ =	swait.ge [sflag:s12], $0xC800  }
0x49: {  	[sflag:s12] =	ssyncset.done $0x0  }
0x4a: {  	s17 =	simm.s32 $0xAF0;
	[sflag:s12] =	ssyncadd.s32 $0xFFFF3800  }
0x4b: {  	[tilespmem:s7], [sflag:$0x2] =	stream.indirect.gather [hbm4b:s4+s5], $0x80, s17, s5, $0xb8;
	[tilespmem:$0x1A900] =	vst v63  }
0x4c: {  	_ =	swait.ge [sflag:s8], $0xC800  }
0x4d: {  	[sflag:s8] =	ssyncset.done $0x0  }
0x4e: {  	s18 =	rddreg [dreg:$0xa];
	[sflag:s8] =	ssyncadd.s32 $0xFFFF3800  }
0x4f: {  	[hbm4b:s18+s2] =	stream.linear.scatter [tilespmem:s6], [sflag:$0x3], $0xC800, $0x38;
	[tilespmem:$0x1A900] =	vst v63  }
0x50: {  	_ =	swait.ge [sflag:s9], $0xC800  }
0x51: {  	[sflag:s9] =	ssyncset.done $0x0  }
0x52: {  	s18 =	simm.s32 $0xC80;
	[sflag:s9] =	ssyncadd.s32 $0xFFFF3800  }
0x53: {  	[tilespmem:s6], [sflag:$0x1] =	stream.indirect.gather [hbm4b:s4+s5], $0x80, s18, s5, $0xb8;
	[tilespmem:$0x1A900] =	vst v63  }
0x54: {  	_ =	swait.ge [sflag:s11], $0xC800  }
0x55: {  	[sflag:s11] =	ssyncset.done $0x0  }
0x56: {  	s19 =	rddreg [dreg:$0xb];
	[sflag:s11] =	ssyncadd.s32 $0xFFFF3800  }
0x57: {  	[hbm4b:s19+s2] =	stream.linear.scatter [tilespmem:s7], [sflag:$0x4], $0xC800, $0x38;
	[tilespmem:$0x1A900] =	vst v63  }
0x58: {  	_ =	swait.ge [sflag:s12], $0xC800  }
0x59: {  	[sflag:s12] =	ssyncset.done $0x0  }
0x5a: {  	s19 =	simm.s32 $0xE10;
	[sflag:s12] =	ssyncadd.s32 $0xFFFF3800  }
0x5b: {  	[tilespmem:s7], [sflag:$0x2] =	stream.indirect.gather [hbm4b:s4+s5], $0x80, s19, s5, $0xb8;
	[tilespmem:$0x1A900] =	vst v63  }
0x5c: {  	_ =	swait.ge [sflag:s8], $0xC800  }
0x5d: {  	[sflag:s8] =	ssyncset.done $0x0  }
0x5e: {  	s20 =	rddreg [dreg:$0xc];
	[sflag:s8] =	ssyncadd.s32 $0xFFFF3800  }
0x5f: {  	[hbm4b:s20+s2] =	stream.linear.scatter [tilespmem:s6], [sflag:$0x3], $0xC800, $0x38;
	[tilespmem:$0x1A900] =	vst v63  }
0x60: {  	_ =	swait.ge [sflag:s9], $0xC800  }
0x61: {  	[sflag:s9] =	ssyncset.done $0x0  }
0x62: {  	s20 =	simm.s32 $0xFA0;
	[sflag:s9] =	ssyncadd.s32 $0xFFFF3800  }
0x63: {  	[tilespmem:s6], [sflag:$0x1] =	stream.indirect.gather [hbm4b:s4+s5], $0x80, s20, s5, $0xb8;
	[tilespmem:$0x1A900] =	vst v63  }
0x64: {  	_ =	swait.ge [sflag:s11], $0xC800  }
0x65: {  	[sflag:s11] =	ssyncset.done $0x0  }
0x66: {  	s21 =	rddreg [dreg:$0xd];
	[sflag:s11] =	ssyncadd.s32 $0xFFFF3800  }
0x67: {  	[hbm4b:s21+s2] =	stream.linear.scatter [tilespmem:s7], [sflag:$0x4], $0xC800, $0x38;
	[tilespmem:$0x1A900] =	vst v63  }
0x68: {  	_ =	swait.ge [sflag:s12], $0xC800  }
0x69: {  	[sflag:s12] =	ssyncset.done $0x0  }
0x6a: {  	s21 =	simm.s32 $0x1130;
	[sflag:s12] =	ssyncadd.s32 $0xFFFF3800  }
0x6b: {  	[tilespmem:s7], [sflag:$0x2] =	stream.indirect.gather [hbm4b:s4+s5], $0x80, s21, s5, $0xb8;
	[tilespmem:$0x1A900] =	vst v63  }
0x6c: {  	_ =	swait.ge [sflag:s8], $0xC800  }
0x6d: {  	[sflag:s8] =	ssyncset.done $0x0  }
0x6e: {  	s22 =	rddreg [dreg:$0xe];
	[sflag:s8] =	ssyncadd.s32 $0xFFFF3800  }
0x6f: {  	[hbm4b:s22+s2] =	stream.linear.scatter [tilespmem:s6], [sflag:$0x3], $0xC800, $0x38;
	[tilespmem:$0x1A900] =	vst v63  }
0x70: {  	_ =	swait.ge [sflag:s9], $0xC800  }
0x71: {  	[sflag:s9] =	ssyncset.done $0x0  }
0x72: {  	s22 =	simm.s32 $0x12C0;
	[sflag:s9] =	ssyncadd.s32 $0xFFFF3800  }
0x73: {  	[tilespmem:s6], [sflag:$0x1] =	stream.indirect.gather [hbm4b:s4+s5], $0x80, s22, s5, $0xb8;
	[tilespmem:$0x1A900] =	vst v63  }
0x74: {  	_ =	swait.ge [sflag:s11], $0xC800  }
0x75: {  	[sflag:s11] =	ssyncset.done $0x0  }
0x76: {  	s23 =	sadd.s32 $0x11300, s31;
	[sflag:s11] =	ssyncadd.s32 $0xFFFF3800  }
0x77: {  	[hbm4b:s23+s2] =	stream.linear.scatter [tilespmem:s7], [sflag:$0x4], $0xC800, $0x38;
	[tilespmem:$0x1A900] =	vst v63  }
0x78: {  	_ =	swait.ge [sflag:s12], $0xC800  }
0x79: {  	[sflag:s12] =	ssyncset.done $0x0  }
0x7a: {  	s24 =	simm.s32 $0x1450;
	[sflag:s12] =	ssyncadd.s32 $0xFFFF3800  }
0x7b: {  	[tilespmem:s7], [sflag:$0x2] =	stream.indirect.gather [hbm4b:s4+s5], $0x80, s24, s5, $0xb8;
	[tilespmem:$0x1A900] =	vst v63  }
0x7c: {  	_ =	swait.ge [sflag:s8], $0xC800  }
0x7d: {  	[sflag:s8] =	ssyncset.done $0x0  }
0x7e: {  	s25 =	sadd.s32 $0x12C00, s31;
	[sflag:s8] =	ssyncadd.s32 $0xFFFF3800  }
0x7f: {  	[hbm4b:s25+s2] =	stream.linear.scatter [tilespmem:s6], [sflag:$0x3], $0xC800, $0x38;
	[tilespmem:$0x1A900] =	vst v63  }
0x80: {  	_ =	swait.ge [sflag:s9], $0xC800  }
0x81: {  	[sflag:s9] =	ssyncset.done $0x0  }
0x82: {  	s26 =	simm.s32 $0x15E0;
	[sflag:s9] =	ssyncadd.s32 $0xFFFF3800  }
0x83: {  	[tilespmem:s6], [sflag:$0x1] =	stream.indirect.gather [hbm4b:s4+s5], $0x80, s26, s5, $0xb8;
	[tilespmem:$0x1A900] =	vst v63  }
0x84: {  	_ =	swait.ge [sflag:s11], $0xC800  }
0x85: {  	[sflag:s11] =	ssyncset.done $0x0  }
0x86: {  	s28 =	sadd.s32 $0x14500, s31;
	[sflag:s11] =	ssyncadd.s32 $0xFFFF3800  }
0x87: {  	[hbm4b:s28+s2] =	stream.linear.scatter [tilespmem:s7], [sflag:$0x4], $0xC800, $0x38;
	[tilespmem:$0x1A900] =	vst v63  }
0x88: {  	_ =	swait.ge [sflag:s12], $0xC800  }
0x89: {  	[sflag:s12] =	ssyncset.done $0x0  }
0x8a: {  	s29 =	simm.s32 $0x1770;
	[sflag:s12] =	ssyncadd.s32 $0xFFFF3800  }
0x8b: {  	[tilespmem:s7], [sflag:$0x2] =	stream.indirect.gather [hbm4b:s4+s5], $0x80, s29, s5, $0xb8;
	[tilespmem:$0x1A900] =	vst v63  }
0x8c: {  	_ =	swait.ge [sflag:s8], $0xC800  }
0x8d: {  	s1 =	ssub.s32 $0x2, s1;
	[sflag:s8] =	ssyncset.done $0x0  }
0x8e: {  	s0 =	sshrl.u32 s1, $0x1;
	s30 =	sadd.s32 $0x15E00, s31;
	[sflag:s8] =	ssyncadd.s32 $0xFFFF3800  }
0x8f: {  	[hbm4b:s30+s2] =	stream.linear.scatter [tilespmem:s6], [sflag:$0x3], $0xC800, $0x38;
	[tilespmem:$0x1A900] =	vst v63  }
0x90: {  	s0 =	ssub.s32 s1, s0;
	_ =	swait.ge [sflag:s11], $0xC800  }
0x91: {  	s0 =	smax.u32 s0, $0x1;
	[sflag:s11] =	ssyncset.done $0x0  }
0x92: {  	p0 =	sne.s32 s0, $0x1;
	s31 =	sadd.s32 $0x17700, s31;
	[sflag:s11] =	ssyncadd.s32 $0xFFFF3800  }
0x93: {  	[hbm4b:s31+s2] =	stream.linear.scatter [tilespmem:s7], [sflag:$0x4], $0xC800, $0x38;
	[tilespmem:$0x1A900] =	vst v63  }
.Ltmp0:
0x94: {  	_ =	swait.ge [sflag:s9], $0xC800;
	(pc) =	sbr.rel @!p0 .LBB2_2-.Ltmp0, $4  }
0x95: {  	[sflag:s9] =	ssyncset.done $0x0  }
0x96: {  	[sflag:s9] =	ssyncadd.s32 $0xFFFF3800  }
0x97: {  	_ =	swait.ge [sflag:s12], $0xC800  }
0x98: {  	s1 =	sadd.s32 $0xFFFFFFFF, s0;
	[sflag:s12] =	ssyncset.done $0x0  }
.LBB2_1:
0x99: {  	s0 =	rddreg [dreg:$0x3];
	[sflag:s12] =	ssyncadd.s32 $0xFFFF3800  }
0x9a: {  	[tilespmem:s2], [sflag:$0x5] =	stream.linear.gather [hbm4b:s0+s2], $0x1900, $0x38;
	[tilespmem:$0x1A900] =	vst v63  }
0x9b: {  	_ =	swait.ge [sflag:s3], $0x1900  }
0x9c: {  	[sflag:s3] =	ssyncset.done $0x0  }
0x9d: {  	[sflag:s3] =	ssyncadd.s32 $0xFFFFE700  }
0x9e: {  	[tilespmem:s6], [sflag:$0x1] =	stream.indirect.gather [hbm4b:s4+s5], $0x80, s2, s5, $0xb8;
	[tilespmem:$0x1A900] =	vst v63  }
0x9f: {  	_ = 	snop  }
0xa0: {  	[tilespmem:s7], [sflag:$0x2] =	stream.indirect.gather [hbm4b:s4+s5], $0x80, s5, s5, $0xb8;
	[tilespmem:$0x1A900] =	vst v63  }
0xa1: {  	_ =	swait.ge [sflag:s8], $0xC800  }
0xa2: {  	[sflag:s8] =	ssyncset.done $0x0  }
0xa3: {  	s0 =	rddreg [dreg:$0x4];
	[sflag:s8] =	ssyncadd.s32 $0xFFFF3800  }
0xa4: {  	[hbm4b:s0+s2] =	stream.linear.scatter [tilespmem:s6], [sflag:$0x3], $0xC800, $0x38;
	[tilespmem:$0x1A900] =	vst v63  }
0xa5: {  	_ =	swait.ge [sflag:s9], $0xC800  }
0xa6: {  	[sflag:s9] =	ssyncset.done $0x0  }
0xa7: {  	[sflag:s9] =	ssyncadd.s32 $0xFFFF3800  }
0xa8: {  	[tilespmem:s6], [sflag:$0x1] =	stream.indirect.gather [hbm4b:s4+s5], $0x80, s10, s5, $0xb8;
	[tilespmem:$0x1A900] =	vst v63  }
0xa9: {  	_ =	swait.ge [sflag:s11], $0xC800  }
0xaa: {  	[sflag:s11] =	ssyncset.done $0x0  }
0xab: {  	s0 =	rddreg [dreg:$0x5];
	[sflag:s11] =	ssyncadd.s32 $0xFFFF3800  }
0xac: {  	[hbm4b:s0+s2] =	stream.linear.scatter [tilespmem:s7], [sflag:$0x4], $0xC800, $0x38;
	[tilespmem:$0x1A900] =	vst v63  }
0xad: {  	_ =	swait.ge [sflag:s12], $0xC800  }
0xae: {  	[sflag:s12] =	ssyncset.done $0x0  }
0xaf: {  	[sflag:s12] =	ssyncadd.s32 $0xFFFF3800  }
0xb0: {  	[tilespmem:s7], [sflag:$0x2] =	stream.indirect.gather [hbm4b:s4+s5], $0x80, s13, s5, $0xb8;
	[tilespmem:$0x1A900] =	vst v63  }
0xb1: {  	_ =	swait.ge [sflag:s8], $0xC800  }
0xb2: {  	[sflag:s8] =	ssyncset.done $0x0  }
0xb3: {  	s0 =	rddreg [dreg:$0x6];
	[sflag:s8] =	ssyncadd.s32 $0xFFFF3800  }
0xb4: {  	[hbm4b:s0+s2] =	stream.linear.scatter [tilespmem:s6], [sflag:$0x3], $0xC800, $0x38;
	[tilespmem:$0x1A900] =	vst v63  }
0xb5: {  	_ =	swait.ge [sflag:s9], $0xC800  }
0xb6: {  	[sflag:s9] =	ssyncset.done $0x0  }
0xb7: {  	[sflag:s9] =	ssyncadd.s32 $0xFFFF3800  }
0xb8: {  	[tilespmem:s6], [sflag:$0x1] =	stream.indirect.gather [hbm4b:s4+s5], $0x80, s14, s5, $0xb8;
	[tilespmem:$0x1A900] =	vst v63  }
0xb9: {  	_ =	swait.ge [sflag:s11], $0xC800  }
0xba: {  	[sflag:s11] =	ssyncset.done $0x0  }
0xbb: {  	s0 =	rddreg [dreg:$0x7];
	[sflag:s11] =	ssyncadd.s32 $0xFFFF3800  }
0xbc: {  	[hbm4b:s0+s2] =	stream.linear.scatter [tilespmem:s7], [sflag:$0x4], $0xC800, $0x38;
	[tilespmem:$0x1A900] =	vst v63  }
0xbd: {  	_ =	swait.ge [sflag:s12], $0xC800  }
0xbe: {  	[sflag:s12] =	ssyncset.done $0x0  }
0xbf: {  	[sflag:s12] =	ssyncadd.s32 $0xFFFF3800  }
0xc0: {  	[tilespmem:s7], [sflag:$0x2] =	stream.indirect.gather [hbm4b:s4+s5], $0x80, s15, s5, $0xb8;
	[tilespmem:$0x1A900] =	vst v63  }
0xc1: {  	_ =	swait.ge [sflag:s8], $0xC800  }
0xc2: {  	[sflag:s8] =	ssyncset.done $0x0  }
0xc3: {  	s0 =	rddreg [dreg:$0x8];
	[sflag:s8] =	ssyncadd.s32 $0xFFFF3800  }
0xc4: {  	[hbm4b:s0+s2] =	stream.linear.scatter [tilespmem:s6], [sflag:$0x3], $0xC800, $0x38;
	[tilespmem:$0x1A900] =	vst v63  }
0xc5: {  	_ =	swait.ge [sflag:s9], $0xC800  }
0xc6: {  	[sflag:s9] =	ssyncset.done $0x0  }
0xc7: {  	[sflag:s9] =	ssyncadd.s32 $0xFFFF3800  }
0xc8: {  	[tilespmem:s6], [sflag:$0x1] =	stream.indirect.gather [hbm4b:s4+s5], $0x80, s16, s5, $0xb8;
	[tilespmem:$0x1A900] =	vst v63  }
0xc9: {  	_ =	swait.ge [sflag:s11], $0xC800  }
0xca: {  	[sflag:s11] =	ssyncset.done $0x0  }
0xcb: {  	s0 =	rddreg [dreg:$0x9];
	[sflag:s11] =	ssyncadd.s32 $0xFFFF3800  }
0xcc: {  	[hbm4b:s0+s2] =	stream.linear.scatter [tilespmem:s7], [sflag:$0x4], $0xC800, $0x38;
	[tilespmem:$0x1A900] =	vst v63  }
0xcd: {  	_ =	swait.ge [sflag:s12], $0xC800  }
0xce: {  	[sflag:s12] =	ssyncset.done $0x0  }
0xcf: {  	[sflag:s12] =	ssyncadd.s32 $0xFFFF3800  }
0xd0: {  	[tilespmem:s7], [sflag:$0x2] =	stream.indirect.gather [hbm4b:s4+s5], $0x80, s17, s5, $0xb8;
	[tilespmem:$0x1A900] =	vst v63  }
0xd1: {  	_ =	swait.ge [sflag:s8], $0xC800  }
0xd2: {  	[sflag:s8] =	ssyncset.done $0x0  }
0xd3: {  	s0 =	rddreg [dreg:$0xa];
	[sflag:s8] =	ssyncadd.s32 $0xFFFF3800  }
0xd4: {  	[hbm4b:s0+s2] =	stream.linear.scatter [tilespmem:s6], [sflag:$0x3], $0xC800, $0x38;
	[tilespmem:$0x1A900] =	vst v63  }
0xd5: {  	_ =	swait.ge [sflag:s9], $0xC800  }
0xd6: {  	[sflag:s9] =	ssyncset.done $0x0  }
0xd7: {  	[sflag:s9] =	ssyncadd.s32 $0xFFFF3800  }
0xd8: {  	[tilespmem:s6], [sflag:$0x1] =	stream.indirect.gather [hbm4b:s4+s5], $0x80, s18, s5, $0xb8;
	[tilespmem:$0x1A900] =	vst v63  }
0xd9: {  	_ =	swait.ge [sflag:s11], $0xC800  }
0xda: {  	[sflag:s11] =	ssyncset.done $0x0  }
0xdb: {  	s0 =	rddreg [dreg:$0xb];
	[sflag:s11] =	ssyncadd.s32 $0xFFFF3800  }
0xdc: {  	[hbm4b:s0+s2] =	stream.linear.scatter [tilespmem:s7], [sflag:$0x4], $0xC800, $0x38;
	[tilespmem:$0x1A900] =	vst v63  }
0xdd: {  	_ =	swait.ge [sflag:s12], $0xC800  }
0xde: {  	[sflag:s12] =	ssyncset.done $0x0  }
0xdf: {  	[sflag:s12] =	ssyncadd.s32 $0xFFFF3800  }
0xe0: {  	[tilespmem:s7], [sflag:$0x2] =	stream.indirect.gather [hbm4b:s4+s5], $0x80, s19, s5, $0xb8;
	[tilespmem:$0x1A900] =	vst v63  }
0xe1: {  	_ =	swait.ge [sflag:s8], $0xC800  }
0xe2: {  	[sflag:s8] =	ssyncset.done $0x0  }
0xe3: {  	s0 =	rddreg [dreg:$0xc];
	[sflag:s8] =	ssyncadd.s32 $0xFFFF3800  }
0xe4: {  	[hbm4b:s0+s2] =	stream.linear.scatter [tilespmem:s6], [sflag:$0x3], $0xC800, $0x38;
	[tilespmem:$0x1A900] =	vst v63  }
0xe5: {  	_ =	swait.ge [sflag:s9], $0xC800  }
0xe6: {  	[sflag:s9] =	ssyncset.done $0x0  }
0xe7: {  	[sflag:s9] =	ssyncadd.s32 $0xFFFF3800  }
0xe8: {  	[tilespmem:s6], [sflag:$0x1] =	stream.indirect.gather [hbm4b:s4+s5], $0x80, s20, s5, $0xb8;
	[tilespmem:$0x1A900] =	vst v63  }
0xe9: {  	_ =	swait.ge [sflag:s11], $0xC800  }
0xea: {  	[sflag:s11] =	ssyncset.done $0x0  }
0xeb: {  	s0 =	rddreg [dreg:$0xd];
	[sflag:s11] =	ssyncadd.s32 $0xFFFF3800  }
0xec: {  	[hbm4b:s0+s2] =	stream.linear.scatter [tilespmem:s7], [sflag:$0x4], $0xC800, $0x38;
	[tilespmem:$0x1A900] =	vst v63  }
0xed: {  	_ =	swait.ge [sflag:s12], $0xC800  }
0xee: {  	[sflag:s12] =	ssyncset.done $0x0  }
0xef: {  	[sflag:s12] =	ssyncadd.s32 $0xFFFF3800  }
0xf0: {  	[tilespmem:s7], [sflag:$0x2] =	stream.indirect.gather [hbm4b:s4+s5], $0x80, s21, s5, $0xb8;
	[tilespmem:$0x1A900] =	vst v63  }
0xf1: {  	_ =	swait.ge [sflag:s8], $0xC800  }
0xf2: {  	[sflag:s8] =	ssyncset.done $0x0  }
0xf3: {  	s0 =	rddreg [dreg:$0xe];
	[sflag:s8] =	ssyncadd.s32 $0xFFFF3800  }
0xf4: {  	[hbm4b:s0+s2] =	stream.linear.scatter [tilespmem:s6], [sflag:$0x3], $0xC800, $0x38;
	[tilespmem:$0x1A900] =	vst v63  }
0xf5: {  	_ =	swait.ge [sflag:s9], $0xC800  }
0xf6: {  	[sflag:s9] =	ssyncset.done $0x0  }
0xf7: {  	[sflag:s9] =	ssyncadd.s32 $0xFFFF3800  }
0xf8: {  	[tilespmem:s6], [sflag:$0x1] =	stream.indirect.gather [hbm4b:s4+s5], $0x80, s22, s5, $0xb8;
	[tilespmem:$0x1A900] =	vst v63  }
0xf9: {  	_ =	swait.ge [sflag:s11], $0xC800  }
0xfa: {  	[sflag:s11] =	ssyncset.done $0x0  }
0xfb: {  	[sflag:s11] =	ssyncadd.s32 $0xFFFF3800  }
0xfc: {  	[hbm4b:s23+s2] =	stream.linear.scatter [tilespmem:s7], [sflag:$0x4], $0xC800, $0x38;
	[tilespmem:$0x1A900] =	vst v63  }
0xfd: {  	_ =	swait.ge [sflag:s12], $0xC800  }
0xfe: {  	[sflag:s12] =	ssyncset.done $0x0  }
0xff: {  	[sflag:s12] =	ssyncadd.s32 $0xFFFF3800  }
0x100: {  	[tilespmem:s7], [sflag:$0x2] =	stream.indirect.gather [hbm4b:s4+s5], $0x80, s24, s5, $0xb8;
	[tilespmem:$0x1A900] =	vst v63  }
0x101: {  	_ =	swait.ge [sflag:s8], $0xC800  }
0x102: {  	[sflag:s8] =	ssyncset.done $0x0  }
0x103: {  	[sflag:s8] =	ssyncadd.s32 $0xFFFF3800  }
0x104: {  	[hbm4b:s25+s2] =	stream.linear.scatter [tilespmem:s6], [sflag:$0x3], $0xC800, $0x38;
	[tilespmem:$0x1A900] =	vst v63  }
0x105: {  	_ =	swait.ge [sflag:s9], $0xC800  }
0x106: {  	[sflag:s9] =	ssyncset.done $0x0  }
0x107: {  	[sflag:s9] =	ssyncadd.s32 $0xFFFF3800  }
0x108: {  	[tilespmem:s6], [sflag:$0x1] =	stream.indirect.gather [hbm4b:s4+s5], $0x80, s26, s5, $0xb8;
	[tilespmem:$0x1A900] =	vst v63  }
0x109: {  	_ =	swait.ge [sflag:s11], $0xC800  }
0x10a: {  	[sflag:s11] =	ssyncset.done $0x0  }
0x10b: {  	[sflag:s11] =	ssyncadd.s32 $0xFFFF3800  }
0x10c: {  	[hbm4b:s28+s2] =	stream.linear.scatter [tilespmem:s7], [sflag:$0x4], $0xC800, $0x38;
	[tilespmem:$0x1A900] =	vst v63  }
0x10d: {  	_ =	swait.ge [sflag:s12], $0xC800  }
0x10e: {  	[sflag:s12] =	ssyncset.done $0x0  }
0x10f: {  	[sflag:s12] =	ssyncadd.s32 $0xFFFF3800  }
0x110: {  	[tilespmem:s7], [sflag:$0x2] =	stream.indirect.gather [hbm4b:s4+s5], $0x80, s29, s5, $0xb8;
	[tilespmem:$0x1A900] =	vst v63  }
0x111: {  	_ =	swait.ge [sflag:s8], $0xC800  }
0x112: {  	[sflag:s8] =	ssyncset.done $0x0  }
0x113: {  	[sflag:s8] =	ssyncadd.s32 $0xFFFF3800  }
0x114: {  	[hbm4b:s30+s2] =	stream.linear.scatter [tilespmem:s6], [sflag:$0x3], $0xC800, $0x38;
	[tilespmem:$0x1A900] =	vst v63  }
0x115: {  	_ =	swait.ge [sflag:s11], $0xC800  }
0x116: {  	[sflag:s11] =	ssyncset.done $0x0  }
0x117: {  	p0 =	sne.s32 s1, $0x1;
	[sflag:s11] =	ssyncadd.s32 $0xFFFF3800  }
0x118: {  	[hbm4b:s31+s2] =	stream.linear.scatter [tilespmem:s7], [sflag:$0x4], $0xC800, $0x38;
	[tilespmem:$0x1A900] =	vst v63  }
.Ltmp1:
0x119: {  	_ =	swait.ge [sflag:s9], $0xC800;
	(pc) =	sbr.rel @p0 .LBB2_1-.Ltmp1, $4  }
0x11a: {  	[sflag:s9] =	ssyncset.done $0x0  }
0x11b: {  	[sflag:s9] =	ssyncadd.s32 $0xFFFF3800  }
0x11c: {  	_ =	swait.ge [sflag:s12], $0xC800  }
0x11d: {  	s1 =	sadd.s32 $0xFFFFFFFF, s1;
	[sflag:s12] =	ssyncset.done $0x0  }
.LBB2_2:
0x11e: {  	[sflag:s12] =	ssyncadd.s32 $0xFFFF3800  }
0x11f: {  	_ =	sfence.sel $0x180000  }
0x120: {  	[bflag:$0x0] =	sbarrier.arrive $0xFFFF  }
0x121: {  	_ =	strace $0x90000047  }
0x122: {  	s0 =	stileid.u32;
	[bflag:$0x2] =	sbarrier.arrive $0xFFFF  }
0x123: {  	p0 =	sne.s32 s0, $0x0;
	s0 =	rddreg [dreg:$0x2]  }
0x124: {  	s0 =	sadd.s32 @!p0 $0x100000, s0  }
0x125: {  	[sflag:s0] =	ssyncadd.tile.s32 @!p0 $0x1;
	_ =	shalt  }
.Lfunc_end2:
_tile_overlayer_lowered:
.L_overlay_start_2:
0x126: {  	(tag) =	ssettag $0x2  }
0x127: {  	s0 =	rddreg [dreg:$0x0];
	s2 =	stileid.u32  }
0x128: {  	s1 =	rddreg [dreg:$0x1];
	p0 =	sne.s32 s2, $0x0  }
0x129: {  	s3 =	rddreg [dreg:$0x2];
	[bflag:$0x3] =	sbarrier.arrive $0xFFFF;
	s2 =	simm.s32 @!p0 $0x1C05  }
0x12a: {  	[timem:s3], [sflag:s2] =	dma.local @!p0 [hbm:s0], s1  }
0x12b: {  	s0 =	simm.s32 @!p0 $0x5  }
0x12c: {  	_ =	swait.ge @!p0 [sflag:s0], s1  }
0x12d: {  	s1 =	ssub.s32 @!p0 $0x0, s1;
	[sflag:s0] =	ssyncset.done @!p0 $0x0  }
0x12e: {  	[sflag:s0] =	ssyncadd.s32 @!p0 s1  }
0x12f: {  	[bflag:$0x3] =	sbarrier.arrive $0xFFFF  }
0x130: {  	_ =	shalt  }

</sc_bundles>
